<compile_context>
chip_gen: v7x
topology: tpu7x:2x2x1
jax: 0.10.2.dev20260603
libtpu: 0.0.44.dev20260713+nightly
codegen_flags: <defaults>
</compile_context>

<pallas_src>
import functools

import jax
import jax.numpy as jnp
from jax import lax
from jax.experimental import pallas as pl
from jax.experimental.pallas import tpu as pltpu
from jax.experimental.pallas import tpu_sc as plsc

NC = 2
NS = 16
NW = NC * NS
CHUNK = 128


def _make_gather(n_tri, n_stage, in_ch, ep):
    b_per_w = ep // NW
    n_ch = b_per_w // CHUNK
    rows_w = n_stage // NS
    mesh = plsc.VectorSubcoreMesh(core_axis_name="c", subcore_axis_name="s",
                                  num_cores=NC, num_subcores=NS)

    @functools.partial(
        pl.kernel, mesh=mesh,
        out_type=jax.ShapeDtypeStruct((ep, in_ch), jnp.float32),
        scratch_types=[
            pltpu.VMEM((n_ch, CHUNK), jnp.int32),
            pltpu.VMEM((b_per_w, in_ch), jnp.float32),
            pltpu.VMEM_SHARED((n_stage, in_ch), jnp.float32),
            pltpu.SemaphoreType.DMA,
        ],
        compiler_params=pltpu.CompilerParams(use_tc_tiling_on_sc=False),
    )
    def gather(tf_hbm, idx_hbm, f_hbm, idx_v, rows_v, tf_sh, sem):
        cid = lax.axis_index("c")
        sid = lax.axis_index("s")
        wid = sid * NC + cid
        base = wid * b_per_w
        pltpu.sync_copy(tf_hbm.at[pl.ds(sid * rows_w, rows_w)],
                        tf_sh.at[pl.ds(sid * rows_w, rows_w)])
        pltpu.sync_copy(idx_hbm.at[wid], idx_v)
        plsc.subcore_barrier()

        def fire(j, carry):
            pltpu.async_copy(tf_sh.at[idx_v.at[j]],
                             rows_v.at[pl.ds(j * CHUNK, CHUNK)], sem)
            return carry

        lax.fori_loop(0, n_ch, fire, 0)
        pltpu.make_async_copy(tf_hbm.at[pl.ds(0, b_per_w)], rows_v, sem).wait()
        pltpu.sync_copy(rows_v, f_hbm.at[pl.ds(base, b_per_w)])

    return gather


def _make_scatter(n_acc, out_ch, ep):
    edges_w = ep // NS
    half = edges_w // 2
    n_half = half // CHUNK
    n_ch_w = edges_w // CHUNK
    rows_w = n_acc // NS
    mesh = plsc.VectorSubcoreMesh(core_axis_name="c", subcore_axis_name="s",
                                  num_cores=NC, num_subcores=NS)

    hch = out_ch // NC

    @functools.partial(
        pl.kernel, mesh=mesh,
        out_type=jax.ShapeDtypeStruct((n_acc, out_ch), jnp.float32),
        scratch_types=[
            pltpu.VMEM((half, hch), jnp.float32),
            pltpu.VMEM((n_ch_w, CHUNK), jnp.int32),
            pltpu.VMEM_SHARED((n_acc, hch), jnp.float32),
            pltpu.SemaphoreType.DMA,
        ],
        compiler_params=pltpu.CompilerParams(use_tc_tiling_on_sc=False),
    )
    def scatter(oute_hbm, jidx_hbm, zeros_hbm, res_hbm, rows_v, jidx_v,
                res_sh, sem):
        cid = lax.axis_index("c")
        sid = lax.axis_index("s")
        c0 = cid * hch
        pltpu.sync_copy(zeros_hbm.at[pl.ds(sid * rows_w, rows_w)],
                        res_sh.at[pl.ds(sid * rows_w, rows_w)])
        pltpu.sync_copy(jidx_hbm.at[sid], jidx_v)
        plsc.subcore_barrier()
        for h in range(2):
            pltpu.sync_copy(
                oute_hbm.at[pl.ds(sid * edges_w + h * half, half),
                            pl.ds(c0, hch)], rows_v)

            def body(j, carry):
                pltpu.async_copy(rows_v.at[pl.ds(j * CHUNK, CHUNK)],
                                 res_sh.at[jidx_v.at[h * n_half + j]],
                                 sem, add=True)
                return carry

            lax.fori_loop(0, n_half, body, 0)
            pltpu.make_async_copy(rows_v, res_sh.at[pl.ds(0, half)],
                                  sem).wait()
        plsc.subcore_barrier()
        pltpu.sync_copy(res_sh.at[pl.ds(sid * rows_w, rows_w)],
                        res_hbm.at[pl.ds(sid * rows_w, rows_w),
                                   pl.ds(c0, hch)])

    return scatter


def _make_tc(e, ep, k_pts, in_ch, out_ch, block):
    kio = k_pts * in_ch

    def body(x_ref, f_ref, m_ref, w_ref, out_ref):
        x0 = x_ref[0:1, :]
        x1 = x_ref[1:2, :]
        x2 = x_ref[2:3, :]

        def d2(k):
            e0 = x0 - m_ref[k:k + 1, 0:1]
            e1 = x1 - m_ref[k:k + 1, 1:2]
            e2 = x2 - m_ref[k:k + 1, 2:3]
            return e0 * e0 + e1 * e1 + e2 * e2

        q = jnp.concatenate([d2(k) for k in range(k_pts)], axis=0)
        qmin = jnp.min(q, axis=0, keepdims=True)
        kio_t = lax.broadcasted_iota(jnp.int32, (k_pts, block), 0)
        selk_t = jnp.min(jnp.where(q == qmin, kio_t, k_pts),
                         axis=0, keepdims=True)
        selk = jnp.transpose(selk_t)

        kcol = lax.broadcasted_iota(jnp.int32, (block, kio), 1) // in_ch
        f = f_ref[...].astype(jnp.bfloat16)
        fx = jnp.where(kcol == selk,
                       jnp.concatenate([f] * k_pts, axis=1),
                       jnp.bfloat16(0.0))
        out_ref[...] = jnp.dot(fx, w_ref[...],
                               preferred_element_type=jnp.float32)

    return pl.pallas_call(
        body,
        grid=(ep // block,),
        in_specs=[
            pl.BlockSpec((4, block), lambda i: (0, i)),
            pl.BlockSpec((block, in_ch), lambda i: (i, 0)),
            pl.BlockSpec((k_pts, 4), lambda i: (0, 0)),
            pl.BlockSpec((kio, out_ch), lambda i: (0, 0)),
        ],
        out_specs=pl.BlockSpec((block, out_ch), lambda i: (i, 0)),
        out_shape=jax.ShapeDtypeStruct((ep, out_ch), jnp.float32),
    )


def kernel(ijk, jkl, triangle_features, hood_coords, mu, W):
    e = ijk.shape[0]
    n_tri, in_ch = triangle_features.shape
    out_ch, k_pts, _ = W.shape

    align = NW * CHUNK
    ep = ((e + align - 1) // align) * align
    pad = ep - e

    ijk3d = jnp.pad(ijk, (0, pad)).reshape(NW, ep // (NW * CHUNK), CHUNK)
    jkl3d = jnp.pad(jkl, (0, pad), constant_values=n_tri).reshape(
        NS, ep // (NS * CHUNK), CHUNK)
    xaug = jnp.concatenate(
        [jnp.pad(hood_coords, ((0, pad), (0, 0))).T,
         jnp.ones((1, ep), jnp.float32)], axis=0)
    msel = jnp.pad(mu[0], ((0, 0), (0, 1)))
    wflat = jnp.transpose(W, (1, 2, 0)).reshape(
        k_pts * in_ch, out_ch).astype(jnp.bfloat16)

    n_acc = ((n_tri + 8 * NS - 1) // (8 * NS)) * (8 * NS)
    zeros = jnp.zeros((n_acc, out_ch // NC), jnp.float32)
    tf_pad = jnp.pad(triangle_features, ((0, n_acc - n_tri), (0, 0)))

    f = _make_gather(n_tri, n_acc, in_ch, ep)(tf_pad, ijk3d)
    out_e = _make_tc(e, ep, k_pts, in_ch, out_ch, 4096)(xaug, f, msel, wflat)
    res = _make_scatter(n_acc, out_ch, ep)(out_e, jkl3d, zeros)
    return res[:n_tri]

# --- scband reference (transcript-rebuilt; emitter-appended) ---
"""Pipeline reference for scband-kernel-point-cosmo-66640712565062 (READ-ONLY COPY).

The authoritative reference and input builder live on the scoring server;
editing this copy changes nothing except your own understanding.
"""

import jax, jax.numpy as jnp
import numpy as np

N_TRI = 10000
N_EDGE = 100000
IN_CH = 32
OUT_CH = 32

KERNEL_POINTS = [[0.25,0.25,0.25],[0.25,0.25,0.75],[0.25,0.75,0.25],[0.25,0.75,0.75],
                 [0.75,0.25,0.25],[0.75,0.25,0.75],[0.75,0.75,0.25],[0.75,0.75,0.75],
                 [0.5,0.5,0.5],[0.1,0.5,0.5],[0.9,0.5,0.5],[0.5,0.1,0.5],
                 [0.5,0.9,0.5],[0.5,0.5,0.1],[0.5,0.5,0.9],[0.3,0.7,0.5]]


def setup_inputs(seed: int = 0) -> dict:
    key = jax.random.key(seed)
    k1, k2, k3, k4, k5 = jax.random.split(key, 5)
    ijk = jax.random.randint(k1, (N_EDGE,), 0, N_TRI, dtype=jnp.int64 if jax.config.jax_enable_x64 else jnp.int32).astype(jnp.int32)
    jkl = jax.random.randint(k2, (N_EDGE,), 0, N_TRI, dtype=jnp.int64 if jax.config.jax_enable_x64 else jnp.int32).astype(jnp.int32)
    triangle_features = jax.random.normal(k3, (N_TRI, IN_CH), dtype=jnp.float32)
    hood_coords = jax.random.uniform(k4, (N_EDGE, 3), dtype=jnp.float32)
    # buffer mu = filter.unsqueeze(0)  -> [1, K, 3]
    mu = jnp.asarray(KERNEL_POINTS, dtype=jnp.float32)[None, :, :]
    K = mu.shape[1]
    # w: Parameter [out_channels, K, in_channels] with xavier_uniform init
    fan_in = K * IN_CH
    fan_out = OUT_CH * IN_CH
    a = float(np.sqrt(6.0 / (fan_in + fan_out)))
    W = jax.random.uniform(k5, (OUT_CH, K, IN_CH), minval=-a, maxval=a, dtype=jnp.float32)
    return {"ijk": ijk, "jkl": jkl, "triangle_features": triangle_features,
            "hood_coords": hood_coords, "mu": mu, "W": W}


def reference(ijk, jkl, triangle_features, hood_coords, mu, W):
    # with torch.no_grad(): dist = cdist(hood_coords.unsqueeze(0), mu); nn_idx = argmin
    diff = hood_coords[:, None, :] - mu[0][None, :, :]          # [E, K, 3]
    dist = jnp.sqrt(jnp.sum(diff * diff, axis=-1))              # [E, K]
    nn_idx = jnp.argmin(dist, axis=1)                           # [E]
    # w = self.w[:, nn_idx]  -> [O, E, I] (gather on kernel-point axis)
    w = jnp.take(W, nn_idx, axis=1)                             # [O, E, I]
    # f = triangle_features[ijk]
    f = jnp.take(triangle_features, ijk, axis=0)                # [E, I]
    out_channels = jnp.einsum('ni,oni->no', f, w)               # [E, O]
    # scatter_add(out_channels, jkl, dim=0, dim_size=N_TRI)
    res = jnp.zeros((triangle_features.shape[0], out_channels.shape[1]),
                    dtype=out_channels.dtype).at[jkl].add(out_channels)
    return res

if __name__ == "__main__":
    import jax
    _d = setup_inputs()
    print(jax.jit(kernel)(*tuple(_d.values())))

</pallas_src>

<mosaic_0001>
#map = affine_map<(d0, d1) -> (0, 0)>
#map1 = affine_map<(d0, d1) -> (0, 0, 0)>
module attributes {stable_mosaic.version = 14 : i64} {
  func.func @gather(%arg0: i32, %arg1: i32, %arg2: memref<10112x32xf32, #tpu.memory_space<hbm>>, %arg3: memref<32x25x128xi32, #tpu.memory_space<hbm>>, %arg4: memref<102400x32xf32, #tpu.memory_space<hbm>>, %arg5: memref<25x128xi32, #tpu.memory_space<vmem>>, %arg6: memref<3200x32xf32, #tpu.memory_space<vmem>>, %arg7: memref<10112x32xf32, #tpu.memory_space<vmem_shared>>, %arg8: memref<!tpu.dma_semaphore, #tpu.memory_space<semaphore_mem>>) attributes {dimension_semantics = [#tpu.dimension_semantics<core_parallel>, #tpu.dimension_semantics<subcore_parallel>], iteration_bounds = array<i64: 2, 16>, scalar_prefetch = 0 : i64, scratch_operands = 4 : i64, tpu.core_type = #tpu.core_type<sc_vector_subcore>, window_params = [{transform_indices = #map}, {transform_indices = #map1}, {transform_indices = #map}]} {
    %mul3A = arith.constant 2 : i32
    %mul3A_0 = arith.muli %arg1, %mul3A : i32
    %add3A = arith.addi %mul3A_0, %arg0 : i32
    %mul3A_1 = arith.constant 3200 : i32
    %mul3A_2 = arith.muli %add3A, %mul3A_1 : i32
    %mul3A_3 = arith.constant 632 : i32
    %mul3A_4 = arith.muli %arg1, %mul3A_3 : i32
    %mul3A_5 = arith.constant 632 : i32
    %mul3A_6 = arith.muli %arg1, %mul3A_5 : i32
    "tpu.region"() ({
      %run_scoped3A = tpu.sem_alloc : memref<!tpu.dma_semaphore, #tpu.memory_space<semaphore_mem>>
      %dma_start3A = arith.constant 0 : i32
      %dma_start3A_17 = tpu.memref_slice %arg7[%mul3A_6, %dma_start3A] : memref<10112x32xf32, #tpu.memory_space<vmem_shared>> -> memref<632x32xf32, #tpu.memory_space<vmem_shared>>
      %dma_start3A_18 = arith.constant 0 : i32
      %dma_start3A_19 = tpu.memref_slice %arg2[%mul3A_4, %dma_start3A_18] : memref<10112x32xf32, #tpu.memory_space<hbm>> -> memref<632x32xf32, #tpu.memory_space<hbm>>
      tpu.enqueue_dma source(%dma_start3A_19 : memref<632x32xf32, #tpu.memory_space<hbm>>) target(%dma_start3A_17 : memref<632x32xf32, #tpu.memory_space<vmem_shared>>) target_semaphore(%run_scoped3A : memref<!tpu.dma_semaphore, #tpu.memory_space<semaphore_mem>>)
      %dma_wait3A_20 = arith.constant 0 : i32
      %dma_wait3A_21 = tpu.memref_slice %arg7[%mul3A_6, %dma_wait3A_20] : memref<10112x32xf32, #tpu.memory_space<vmem_shared>> -> memref<632x32xf32, #tpu.memory_space<vmem_shared>>
      %dma_wait3A_22 = arith.constant 0 : i32
      %dma_wait3A_23 = tpu.memref_slice %arg2[%mul3A_4, %dma_wait3A_22] : memref<10112x32xf32, #tpu.memory_space<hbm>> -> memref<632x32xf32, #tpu.memory_space<hbm>>
      tpu.wait_dma2 semaphore(%run_scoped3A : memref<!tpu.dma_semaphore, #tpu.memory_space<semaphore_mem>>) src(%dma_wait3A_23 : memref<632x32xf32, #tpu.memory_space<hbm>>) dst(%dma_wait3A_21 : memref<632x32xf32, #tpu.memory_space<vmem_shared>>)
      tpu.yield
    }) : () -> ()
    "tpu.region"() ({
      %run_scoped3A = tpu.sem_alloc : memref<!tpu.dma_semaphore, #tpu.memory_space<semaphore_mem>>
      %dma_start3A = arith.constant 0 : i32
      %dma_start3A_17 = arith.constant 0 : i32
      %dma_start3A_18 = tpu.memref_slice %arg3[%add3A, %dma_start3A, %dma_start3A_17] : memref<32x25x128xi32, #tpu.memory_space<hbm>> -> memref<1x25x128xi32, #tpu.memory_space<hbm>>
      %dma_start3A_19 = tpu.memref_squeeze %dma_start3A_18 : memref<1x25x128xi32, #tpu.memory_space<hbm>> -> memref<25x128xi32, #tpu.memory_space<hbm>>
      %dma_start3A_20 = arith.constant 0 : i32
      %dma_start3A_21 = arith.constant 0 : i32
      %dma_start3A_22 = tpu.memref_slice %arg3[%add3A, %dma_start3A_20, %dma_start3A_21] : memref<32x25x128xi32, #tpu.memory_space<hbm>> -> memref<1x25x128xi32, #tpu.memory_space<hbm>>
      %dma_start3A_23 = tpu.memref_squeeze %dma_start3A_22 : memref<1x25x128xi32, #tpu.memory_space<hbm>> -> memref<25x128xi32, #tpu.memory_space<hbm>>
      tpu.enqueue_dma source(%dma_start3A_23 : memref<25x128xi32, #tpu.memory_space<hbm>>) target(%arg5 : memref<25x128xi32, #tpu.memory_space<vmem>>) target_semaphore(%run_scoped3A : memref<!tpu.dma_semaphore, #tpu.memory_space<semaphore_mem>>)
      %dma_wait3A_24 = arith.constant 0 : i32
      %dma_wait3A_25 = arith.constant 0 : i32
      %dma_wait3A_26 = tpu.memref_slice %arg3[%add3A, %dma_wait3A_24, %dma_wait3A_25] : memref<32x25x128xi32, #tpu.memory_space<hbm>> -> memref<1x25x128xi32, #tpu.memory_space<hbm>>
      %dma_wait3A_27 = tpu.memref_squeeze %dma_wait3A_26 : memref<1x25x128xi32, #tpu.memory_space<hbm>> -> memref<25x128xi32, #tpu.memory_space<hbm>>
      %dma_wait3A_28 = arith.constant 0 : i32
      %dma_wait3A_29 = arith.constant 0 : i32
      %dma_wait3A_30 = tpu.memref_slice %arg3[%add3A, %dma_wait3A_28, %dma_wait3A_29] : memref<32x25x128xi32, #tpu.memory_space<hbm>> -> memref<1x25x128xi32, #tpu.memory_space<hbm>>
      %dma_wait3A_31 = tpu.memref_squeeze %dma_wait3A_30 : memref<1x25x128xi32, #tpu.memory_space<hbm>> -> memref<25x128xi32, #tpu.memory_space<hbm>>
      tpu.wait_dma2 semaphore(%run_scoped3A : memref<!tpu.dma_semaphore, #tpu.memory_space<semaphore_mem>>) src(%dma_wait3A_31 : memref<25x128xi32, #tpu.memory_space<hbm>>) dst(%arg5 : memref<25x128xi32, #tpu.memory_space<vmem>>)
      tpu.yield
    }) : () -> ()
    %barrier3A = arith.constant 0 : index
    tpu.barrier barrier_id(%barrier3A)
    %scan3A = arith.constant 0 : i32
    %scan3A_7 = arith.constant 0 : i32
    %scan3A_8 = arith.constant 25 : i32
    %scan3A_9 = arith.addi %scan3A_7, %scan3A_8 : i32
    %scan3A_10 = arith.constant 1 : i32
    scf.for %scan3A_17 = %scan3A_7 to %scan3A_9 step %scan3A_10  : i32 {
      %mul3A_18 = arith.constant 128 : i32
      %mul3A_19 = arith.muli %scan3A_17, %mul3A_18 : i32
      %dma_start3A = arith.constant 0 : i32
      %dma_start3A_20 = tpu.memref_slice %arg6[%mul3A_19, %dma_start3A] : memref<3200x32xf32, #tpu.memory_space<vmem>> -> memref<128x32xf32, #tpu.memory_space<vmem>>
      %dma_start3A_21 = arith.constant 0 : i32
      %dma_start3A_22 = tpu.memref_slice %arg5[%scan3A_17, %dma_start3A_21] : memref<25x128xi32, #tpu.memory_space<vmem>> -> memref<1x128xi32, #tpu.memory_space<vmem>>
      %dma_start3A_23 = tpu.memref_squeeze %dma_start3A_22 : memref<1x128xi32, #tpu.memory_space<vmem>> -> memref<128xi32, #tpu.memory_space<vmem>>
      %dma_start3A_24 = arith.constant 0 : i32
      %dma_start3A_25 = arith.constant 0 : i32
      %dma_start3A_26 = tpu.memref_slice %arg7[%dma_start3A_24, %dma_start3A_25] : memref<10112x32xf32, #tpu.memory_space<vmem_shared>> -> memref<10112x32xf32, #tpu.memory_space<vmem_shared>>
      tpu.enqueue_indirect_dma source(%dma_start3A_26 : memref<10112x32xf32, #tpu.memory_space<vmem_shared>>) target(%dma_start3A_20 : memref<128x32xf32, #tpu.memory_space<vmem>>) offsets(%dma_start3A_23 : memref<128xi32, #tpu.memory_space<vmem>>) semaphore(%arg8 : memref<!tpu.dma_semaphore, #tpu.memory_space<semaphore_mem>>)
    }
    %scan3A_11 = arith.constant 25 : i32
    %dma_wait3A = arith.constant 0 : i32
    %dma_wait3A_12 = arith.constant 0 : i32
    %dma_wait3A_13 = tpu.memref_slice %arg2[%dma_wait3A, %dma_wait3A_12] : memref<10112x32xf32, #tpu.memory_space<hbm>> -> memref<3200x32xf32, #tpu.memory_space<hbm>>
    %dma_wait3A_14 = arith.constant 0 : i32
    %dma_wait3A_15 = arith.constant 0 : i32
    %dma_wait3A_16 = tpu.memref_slice %arg2[%dma_wait3A_14, %dma_wait3A_15] : memref<10112x32xf32, #tpu.memory_space<hbm>> -> memref<3200x32xf32, #tpu.memory_space<hbm>>
    tpu.wait_dma2 semaphore(%arg8 : memref<!tpu.dma_semaphore, #tpu.memory_space<semaphore_mem>>) src(%dma_wait3A_16 : memref<3200x32xf32, #tpu.memory_space<hbm>>) dst(%arg6 : memref<3200x32xf32, #tpu.memory_space<vmem>>)
    "tpu.region"() ({
      %run_scoped3A = tpu.sem_alloc : memref<!tpu.dma_semaphore, #tpu.memory_space<semaphore_mem>>
      %dma_start3A = arith.constant 0 : i32
      %dma_start3A_17 = tpu.memref_slice %arg4[%mul3A_2, %dma_start3A] : memref<102400x32xf32, #tpu.memory_space<hbm>> -> memref<3200x32xf32, #tpu.memory_space<hbm>>
      %dma_start3A_18 = arith.constant 0 : i32
      %dma_start3A_19 = tpu.memref_slice %arg4[%mul3A_2, %dma_start3A_18] : memref<102400x32xf32, #tpu.memory_space<hbm>> -> memref<3200x32xf32, #tpu.memory_space<hbm>>
      tpu.enqueue_dma source(%arg6 : memref<3200x32xf32, #tpu.memory_space<vmem>>) target(%dma_start3A_19 : memref<3200x32xf32, #tpu.memory_space<hbm>>) target_semaphore(%run_scoped3A : memref<!tpu.dma_semaphore, #tpu.memory_space<semaphore_mem>>)
      %dma_wait3A_20 = arith.constant 0 : i32
      %dma_wait3A_21 = tpu.memref_slice %arg4[%mul3A_2, %dma_wait3A_20] : memref<102400x32xf32, #tpu.memory_space<hbm>> -> memref<3200x32xf32, #tpu.memory_space<hbm>>
      %dma_wait3A_22 = arith.constant 0 : i32
      %dma_wait3A_23 = tpu.memref_slice %arg4[%mul3A_2, %dma_wait3A_22] : memref<102400x32xf32, #tpu.memory_space<hbm>> -> memref<3200x32xf32, #tpu.memory_space<hbm>>
      tpu.wait_dma2 semaphore(%run_scoped3A : memref<!tpu.dma_semaphore, #tpu.memory_space<semaphore_mem>>) src(%arg6 : memref<3200x32xf32, #tpu.memory_space<vmem>>) dst(%dma_wait3A_23 : memref<3200x32xf32, #tpu.memory_space<hbm>>)
      tpu.yield
    }) : () -> ()
    return
  }
}

#map = affine_map<(d0, d1) -> (0, 0)>
#map1 = affine_map<(d0, d1) -> (0, 0, 0)>
module attributes {stable_mosaic.version = 14 : i64} {
  func.func @scatter(%arg0: i32, %arg1: i32, %arg2: memref<102400x32xf32, #tpu.memory_space<hbm>>, %arg3: memref<16x50x128xi32, #tpu.memory_space<hbm>>, %arg4: memref<10112x16xf32, #tpu.memory_space<hbm>>, %arg5: memref<10112x32xf32, #tpu.memory_space<hbm>>, %arg6: memref<3200x16xf32, #tpu.memory_space<vmem>>, %arg7: memref<50x128xi32, #tpu.memory_space<vmem>>, %arg8: memref<10112x16xf32, #tpu.memory_space<vmem_shared>>, %arg9: memref<!tpu.dma_semaphore, #tpu.memory_space<semaphore_mem>>) attributes {dimension_semantics = [#tpu.dimension_semantics<core_parallel>, #tpu.dimension_semantics<subcore_parallel>], iteration_bounds = array<i64: 2, 16>, scalar_prefetch = 0 : i64, scratch_operands = 4 : i64, tpu.core_type = #tpu.core_type<sc_vector_subcore>, window_params = [{transform_indices = #map}, {transform_indices = #map1}, {transform_indices = #map}, {transform_indices = #map}]} {
    %mul3A = arith.constant 16 : i32
    %mul3A_0 = arith.muli %arg0, %mul3A : i32
    %mul3A_1 = arith.constant 632 : i32
    %mul3A_2 = arith.muli %arg1, %mul3A_1 : i32
    %mul3A_3 = arith.constant 632 : i32
    %mul3A_4 = arith.muli %arg1, %mul3A_3 : i32
    "tpu.region"() ({
      %run_scoped3A = tpu.sem_alloc : memref<!tpu.dma_semaphore, #tpu.memory_space<semaphore_mem>>
      %dma_start3A = arith.constant 0 : i32
      %dma_start3A_39 = tpu.memref_slice %arg8[%mul3A_4, %dma_start3A] : memref<10112x16xf32, #tpu.memory_space<vmem_shared>> -> memref<632x16xf32, #tpu.memory_space<vmem_shared>>
      %dma_start3A_40 = arith.constant 0 : i32
      %dma_start3A_41 = tpu.memref_slice %arg4[%mul3A_2, %dma_start3A_40] : memref<10112x16xf32, #tpu.memory_space<hbm>> -> memref<632x16xf32, #tpu.memory_space<hbm>>
      tpu.enqueue_dma source(%dma_start3A_41 : memref<632x16xf32, #tpu.memory_space<hbm>>) target(%dma_start3A_39 : memref<632x16xf32, #tpu.memory_space<vmem_shared>>) target_semaphore(%run_scoped3A : memref<!tpu.dma_semaphore, #tpu.memory_space<semaphore_mem>>)
      %dma_wait3A_42 = arith.constant 0 : i32
      %dma_wait3A_43 = tpu.memref_slice %arg8[%mul3A_4, %dma_wait3A_42] : memref<10112x16xf32, #tpu.memory_space<vmem_shared>> -> memref<632x16xf32, #tpu.memory_space<vmem_shared>>
      %dma_wait3A_44 = arith.constant 0 : i32
      %dma_wait3A_45 = tpu.memref_slice %arg4[%mul3A_2, %dma_wait3A_44] : memref<10112x16xf32, #tpu.memory_space<hbm>> -> memref<632x16xf32, #tpu.memory_space<hbm>>
      tpu.wait_dma2 semaphore(%run_scoped3A : memref<!tpu.dma_semaphore, #tpu.memory_space<semaphore_mem>>) src(%dma_wait3A_45 : memref<632x16xf32, #tpu.memory_space<hbm>>) dst(%dma_wait3A_43 : memref<632x16xf32, #tpu.memory_space<vmem_shared>>)
      tpu.yield
    }) : () -> ()
    "tpu.region"() ({
      %run_scoped3A = tpu.sem_alloc : memref<!tpu.dma_semaphore, #tpu.memory_space<semaphore_mem>>
      %dma_start3A = arith.constant 0 : i32
      %dma_start3A_39 = arith.constant 0 : i32
      %dma_start3A_40 = tpu.memref_slice %arg3[%arg1, %dma_start3A, %dma_start3A_39] : memref<16x50x128xi32, #tpu.memory_space<hbm>> -> memref<1x50x128xi32, #tpu.memory_space<hbm>>
      %dma_start3A_41 = tpu.memref_squeeze %dma_start3A_40 : memref<1x50x128xi32, #tpu.memory_space<hbm>> -> memref<50x128xi32, #tpu.memory_space<hbm>>
      %dma_start3A_42 = arith.constant 0 : i32
      %dma_start3A_43 = arith.constant 0 : i32
      %dma_start3A_44 = tpu.memref_slice %arg3[%arg1, %dma_start3A_42, %dma_start3A_43] : memref<16x50x128xi32, #tpu.memory_space<hbm>> -> memref<1x50x128xi32, #tpu.memory_space<hbm>>
      %dma_start3A_45 = tpu.memref_squeeze %dma_start3A_44 : memref<1x50x128xi32, #tpu.memory_space<hbm>> -> memref<50x128xi32, #tpu.memory_space<hbm>>
      tpu.enqueue_dma source(%dma_start3A_45 : memref<50x128xi32, #tpu.memory_space<hbm>>) target(%arg7 : memref<50x128xi32, #tpu.memory_space<vmem>>) target_semaphore(%run_scoped3A : memref<!tpu.dma_semaphore, #tpu.memory_space<semaphore_mem>>)
      %dma_wait3A_46 = arith.constant 0 : i32
      %dma_wait3A_47 = arith.constant 0 : i32
      %dma_wait3A_48 = tpu.memref_slice %arg3[%arg1, %dma_wait3A_46, %dma_wait3A_47] : memref<16x50x128xi32, #tpu.memory_space<hbm>> -> memref<1x50x128xi32, #tpu.memory_space<hbm>>
      %dma_wait3A_49 = tpu.memref_squeeze %dma_wait3A_48 : memref<1x50x128xi32, #tpu.memory_space<hbm>> -> memref<50x128xi32, #tpu.memory_space<hbm>>
      %dma_wait3A_50 = arith.constant 0 : i32
      %dma_wait3A_51 = arith.constant 0 : i32
      %dma_wait3A_52 = tpu.memref_slice %arg3[%arg1, %dma_wait3A_50, %dma_wait3A_51] : memref<16x50x128xi32, #tpu.memory_space<hbm>> -> memref<1x50x128xi32, #tpu.memory_space<hbm>>
      %dma_wait3A_53 = tpu.memref_squeeze %dma_wait3A_52 : memref<1x50x128xi32, #tpu.memory_space<hbm>> -> memref<50x128xi32, #tpu.memory_space<hbm>>
      tpu.wait_dma2 semaphore(%run_scoped3A : memref<!tpu.dma_semaphore, #tpu.memory_space<semaphore_mem>>) src(%dma_wait3A_53 : memref<50x128xi32, #tpu.memory_space<hbm>>) dst(%arg7 : memref<50x128xi32, #tpu.memory_space<vmem>>)
      tpu.yield
    }) : () -> ()
    %barrier3A = arith.constant 0 : index
    tpu.barrier barrier_id(%barrier3A)
    %mul3A_5 = arith.constant 6400 : i32
    %mul3A_6 = arith.muli %arg1, %mul3A_5 : i32
    %add3A = arith.constant 0 : i32
    %add3A_7 = arith.addi %mul3A_6, %add3A : i32
    "tpu.region"() ({
      %run_scoped3A = tpu.sem_alloc : memref<!tpu.dma_semaphore, #tpu.memory_space<semaphore_mem>>
      %dma_start3A = tpu.memref_slice %arg2[%add3A_7, %mul3A_0] : memref<102400x32xf32, #tpu.memory_space<hbm>> -> memref<3200x16xf32, #tpu.memory_space<hbm>>
      %dma_start3A_39 = tpu.memref_slice %arg2[%add3A_7, %mul3A_0] : memref<102400x32xf32, #tpu.memory_space<hbm>> -> memref<3200x16xf32, #tpu.memory_space<hbm>>
      tpu.enqueue_dma source(%dma_start3A_39 : memref<3200x16xf32, #tpu.memory_space<hbm>>) target(%arg6 : memref<3200x16xf32, #tpu.memory_space<vmem>>) target_semaphore(%run_scoped3A : memref<!tpu.dma_semaphore, #tpu.memory_space<semaphore_mem>>)
      %dma_wait3A_40 = tpu.memref_slice %arg2[%add3A_7, %mul3A_0] : memref<102400x32xf32, #tpu.memory_space<hbm>> -> memref<3200x16xf32, #tpu.memory_space<hbm>>
      %dma_wait3A_41 = tpu.memref_slice %arg2[%add3A_7, %mul3A_0] : memref<102400x32xf32, #tpu.memory_space<hbm>> -> memref<3200x16xf32, #tpu.memory_space<hbm>>
      tpu.wait_dma2 semaphore(%run_scoped3A : memref<!tpu.dma_semaphore, #tpu.memory_space<semaphore_mem>>) src(%dma_wait3A_41 : memref<3200x16xf32, #tpu.memory_space<hbm>>) dst(%arg6 : memref<3200x16xf32, #tpu.memory_space<vmem>>)
      tpu.yield
    }) : () -> ()
    %scan3A = arith.constant 0 : i32
    %scan3A_8 = arith.constant 0 : i32
    %scan3A_9 = arith.constant 25 : i32
    %scan3A_10 = arith.addi %scan3A_8, %scan3A_9 : i32
    %scan3A_11 = arith.constant 1 : i32
    scf.for %scan3A_39 = %scan3A_8 to %scan3A_10 step %scan3A_11  : i32 {
      %mul3A_40 = arith.constant 128 : i32
      %mul3A_41 = arith.muli %scan3A_39, %mul3A_40 : i32
      %add3A_42 = arith.constant 0 : i32
      %add3A_43 = arith.addi %add3A_42, %scan3A_39 : i32
      %dma_start3A = arith.constant 0 : i32
      %dma_start3A_44 = tpu.memref_slice %arg6[%mul3A_41, %dma_start3A] : memref<3200x16xf32, #tpu.memory_space<vmem>> -> memref<128x16xf32, #tpu.memory_space<vmem>>
      %dma_start3A_45 = arith.constant 0 : i32
      %dma_start3A_46 = tpu.memref_slice %arg7[%add3A_43, %dma_start3A_45] : memref<50x128xi32, #tpu.memory_space<vmem>> -> memref<1x128xi32, #tpu.memory_space<vmem>>
      %dma_start3A_47 = tpu.memref_squeeze %dma_start3A_46 : memref<1x128xi32, #tpu.memory_space<vmem>> -> memref<128xi32, #tpu.memory_space<vmem>>
      %dma_start3A_48 = arith.constant 0 : i32
      %dma_start3A_49 = arith.constant 0 : i32
      %dma_start3A_50 = tpu.memref_slice %arg8[%dma_start3A_48, %dma_start3A_49] : memref<10112x16xf32, #tpu.memory_space<vmem_shared>> -> memref<10112x16xf32, #tpu.memory_space<vmem_shared>>
      tpu.enqueue_indirect_dma source(%dma_start3A_44 : memref<128x16xf32, #tpu.memory_space<vmem>>) target(%dma_start3A_50 : memref<10112x16xf32, #tpu.memory_space<vmem_shared>>) offsets(%dma_start3A_47 : memref<128xi32, #tpu.memory_space<vmem>>) semaphore(%arg9 : memref<!tpu.dma_semaphore, #tpu.memory_space<semaphore_mem>>) {add = true}
    }
    %scan3A_12 = arith.constant 25 : i32
    %dma_wait3A = arith.constant 0 : i32
    %dma_wait3A_13 = arith.constant 0 : i32
    %dma_wait3A_14 = tpu.memref_slice %arg8[%dma_wait3A, %dma_wait3A_13] : memref<10112x16xf32, #tpu.memory_space<vmem_shared>> -> memref<3200x16xf32, #tpu.memory_space<vmem_shared>>
    %dma_wait3A_15 = arith.constant 0 : i32
    %dma_wait3A_16 = arith.constant 0 : i32
    %dma_wait3A_17 = tpu.memref_slice %arg8[%dma_wait3A_15, %dma_wait3A_16] : memref<10112x16xf32, #tpu.memory_space<vmem_shared>> -> memref<3200x16xf32, #tpu.memory_space<vmem_shared>>
    tpu.wait_dma2 semaphore(%arg9 : memref<!tpu.dma_semaphore, #tpu.memory_space<semaphore_mem>>) src(%arg6 : memref<3200x16xf32, #tpu.memory_space<vmem>>) dst(%dma_wait3A_17 : memref<3200x16xf32, #tpu.memory_space<vmem_shared>>)
    %mul3A_18 = arith.constant 6400 : i32
    %mul3A_19 = arith.muli %arg1, %mul3A_18 : i32
    %add3A_20 = arith.constant 3200 : i32
    %add3A_21 = arith.addi %mul3A_19, %add3A_20 : i32
    "tpu.region"() ({
      %run_scoped3A = tpu.sem_alloc : memref<!tpu.dma_semaphore, #tpu.memory_space<semaphore_mem>>
      %dma_start3A = tpu.memref_slice %arg2[%add3A_21, %mul3A_0] : memref<102400x32xf32, #tpu.memory_space<hbm>> -> memref<3200x16xf32, #tpu.memory_space<hbm>>
      %dma_start3A_39 = tpu.memref_slice %arg2[%add3A_21, %mul3A_0] : memref<102400x32xf32, #tpu.memory_space<hbm>> -> memref<3200x16xf32, #tpu.memory_space<hbm>>
      tpu.enqueue_dma source(%dma_start3A_39 : memref<3200x16xf32, #tpu.memory_space<hbm>>) target(%arg6 : memref<3200x16xf32, #tpu.memory_space<vmem>>) target_semaphore(%run_scoped3A : memref<!tpu.dma_semaphore, #tpu.memory_space<semaphore_mem>>)
      %dma_wait3A_40 = tpu.memref_slice %arg2[%add3A_21, %mul3A_0] : memref<102400x32xf32, #tpu.memory_space<hbm>> -> memref<3200x16xf32, #tpu.memory_space<hbm>>
      %dma_wait3A_41 = tpu.memref_slice %arg2[%add3A_21, %mul3A_0] : memref<102400x32xf32, #tpu.memory_space<hbm>> -> memref<3200x16xf32, #tpu.memory_space<hbm>>
      tpu.wait_dma2 semaphore(%run_scoped3A : memref<!tpu.dma_semaphore, #tpu.memory_space<semaphore_mem>>) src(%dma_wait3A_41 : memref<3200x16xf32, #tpu.memory_space<hbm>>) dst(%arg6 : memref<3200x16xf32, #tpu.memory_space<vmem>>)
      tpu.yield
    }) : () -> ()
    %scan3A_22 = arith.constant 0 : i32
    %scan3A_23 = arith.constant 0 : i32
    %scan3A_24 = arith.constant 25 : i32
    %scan3A_25 = arith.addi %scan3A_23, %scan3A_24 : i32
    %scan3A_26 = arith.constant 1 : i32
    scf.for %scan3A_39 = %scan3A_23 to %scan3A_25 step %scan3A_26  : i32 {
      %mul3A_40 = arith.constant 128 : i32
      %mul3A_41 = arith.muli %scan3A_39, %mul3A_40 : i32
      %add3A_42 = arith.constant 25 : i32
      %add3A_43 = arith.addi %add3A_42, %scan3A_39 : i32
      %dma_start3A = arith.constant 0 : i32
      %dma_start3A_44 = tpu.memref_slice %arg6[%mul3A_41, %dma_start3A] : memref<3200x16xf32, #tpu.memory_space<vmem>> -> memref<128x16xf32, #tpu.memory_space<vmem>>
      %dma_start3A_45 = arith.constant 0 : i32
      %dma_start3A_46 = tpu.memref_slice %arg7[%add3A_43, %dma_start3A_45] : memref<50x128xi32, #tpu.memory_space<vmem>> -> memref<1x128xi32, #tpu.memory_space<vmem>>
      %dma_start3A_47 = tpu.memref_squeeze %dma_start3A_46 : memref<1x128xi32, #tpu.memory_space<vmem>> -> memref<128xi32, #tpu.memory_space<vmem>>
      %dma_start3A_48 = arith.constant 0 : i32
      %dma_start3A_49 = arith.constant 0 : i32
      %dma_start3A_50 = tpu.memref_slice %arg8[%dma_start3A_48, %dma_start3A_49] : memref<10112x16xf32, #tpu.memory_space<vmem_shared>> -> memref<10112x16xf32, #tpu.memory_space<vmem_shared>>
      tpu.enqueue_indirect_dma source(%dma_start3A_44 : memref<128x16xf32, #tpu.memory_space<vmem>>) target(%dma_start3A_50 : memref<10112x16xf32, #tpu.memory_space<vmem_shared>>) offsets(%dma_start3A_47 : memref<128xi32, #tpu.memory_space<vmem>>) semaphore(%arg9 : memref<!tpu.dma_semaphore, #tpu.memory_space<semaphore_mem>>) {add = true}
    }
    %scan3A_27 = arith.constant 25 : i32
    %dma_wait3A_28 = arith.constant 0 : i32
    %dma_wait3A_29 = arith.constant 0 : i32
    %dma_wait3A_30 = tpu.memref_slice %arg8[%dma_wait3A_28, %dma_wait3A_29] : memref<10112x16xf32, #tpu.memory_space<vmem_shared>> -> memref<3200x16xf32, #tpu.memory_space<vmem_shared>>
    %dma_wait3A_31 = arith.constant 0 : i32
    %dma_wait3A_32 = arith.constant 0 : i32
    %dma_wait3A_33 = tpu.memref_slice %arg8[%dma_wait3A_31, %dma_wait3A_32] : memref<10112x16xf32, #tpu.memory_space<vmem_shared>> -> memref<3200x16xf32, #tpu.memory_space<vmem_shared>>
    tpu.wait_dma2 semaphore(%arg9 : memref<!tpu.dma_semaphore, #tpu.memory_space<semaphore_mem>>) src(%arg6 : memref<3200x16xf32, #tpu.memory_space<vmem>>) dst(%dma_wait3A_33 : memref<3200x16xf32, #tpu.memory_space<vmem_shared>>)
    %barrier3A_34 = arith.constant 0 : index
    tpu.barrier barrier_id(%barrier3A_34)
    %mul3A_35 = arith.constant 632 : i32
    %mul3A_36 = arith.muli %arg1, %mul3A_35 : i32
    %mul3A_37 = arith.constant 632 : i32
    %mul3A_38 = arith.muli %arg1, %mul3A_37 : i32
    "tpu.region"() ({
      %run_scoped3A = tpu.sem_alloc : memref<!tpu.dma_semaphore, #tpu.memory_space<semaphore_mem>>
      %dma_start3A = tpu.memref_slice %arg5[%mul3A_38, %mul3A_0] : memref<10112x32xf32, #tpu.memory_space<hbm>> -> memref<632x16xf32, #tpu.memory_space<hbm>>
      %dma_start3A_39 = arith.constant 0 : i32
      %dma_start3A_40 = tpu.memref_slice %arg8[%mul3A_36, %dma_start3A_39] : memref<10112x16xf32, #tpu.memory_space<vmem_shared>> -> memref<632x16xf32, #tpu.memory_space<vmem_shared>>
      tpu.enqueue_dma source(%dma_start3A_40 : memref<632x16xf32, #tpu.memory_space<vmem_shared>>) target(%dma_start3A : memref<632x16xf32, #tpu.memory_space<hbm>>) target_semaphore(%run_scoped3A : memref<!tpu.dma_semaphore, #tpu.memory_space<semaphore_mem>>)
      %dma_wait3A_41 = tpu.memref_slice %arg5[%mul3A_38, %mul3A_0] : memref<10112x32xf32, #tpu.memory_space<hbm>> -> memref<632x16xf32, #tpu.memory_space<hbm>>
      %dma_wait3A_42 = arith.constant 0 : i32
      %dma_wait3A_43 = tpu.memref_slice %arg8[%mul3A_36, %dma_wait3A_42] : memref<10112x16xf32, #tpu.memory_space<vmem_shared>> -> memref<632x16xf32, #tpu.memory_space<vmem_shared>>
      tpu.wait_dma2 semaphore(%run_scoped3A : memref<!tpu.dma_semaphore, #tpu.memory_space<semaphore_mem>>) src(%dma_wait3A_43 : memref<632x16xf32, #tpu.memory_space<vmem_shared>>) dst(%dma_wait3A_41 : memref<632x16xf32, #tpu.memory_space<hbm>>)
      tpu.yield
    }) : () -> ()
    return
  }
}

module attributes {stable_mosaic.version = 14 : i64} {
  func.func @body(%arg0: i32, %arg1: memref<4x4096xf32, #tpu.memory_space<vmem>>, %arg2: memref<4096x32xf32, #tpu.memory_space<vmem>>, %arg3: memref<16x4xf32, #tpu.memory_space<vmem>>, %arg4: memref<512x32xbf16, #tpu.memory_space<vmem>>, %arg5: memref<4096x32xf32, #tpu.memory_space<vmem>>) attributes {dimension_semantics = [#tpu.dimension_semantics<arbitrary>], iteration_bounds = array<i64: 25>, scalar_prefetch = 0 : i64, scratch_operands = 0 : i64, tpu.core_type = #tpu.core_type<tc>, window_params = [{transform_indices = @transform_0, window_bounds = array<i64: 4, 4096>}, {transform_indices = @transform_1, window_bounds = array<i64: 4096, 32>}, {pipeline_mode = #tpu.pipeline_mode<synchronous>, transform_indices = @transform_2, window_bounds = array<i64: 16, 4>}, {pipeline_mode = #tpu.pipeline_mode<synchronous>, transform_indices = @transform_3, window_bounds = array<i64: 512, 32>}, {transform_indices = @transform_4, window_bounds = array<i64: 4096, 32>}]} {
    %get3A = arith.constant 0 : index
    %get3A_0 = arith.constant 0 : index
    %get3A_1 = vector.load %arg1[%get3A, %get3A_0] : memref<4x4096xf32, #tpu.memory_space<vmem>>, vector<1x4096xf32>
    %get3A_2 = arith.constant 1 : index
    %get3A_3 = arith.constant 0 : index
    %get3A_4 = vector.load %arg1[%get3A_2, %get3A_3] : memref<4x4096xf32, #tpu.memory_space<vmem>>, vector<1x4096xf32>
    %get3A_5 = arith.constant 2 : index
    %get3A_6 = arith.constant 0 : index
    %get3A_7 = vector.load %arg1[%get3A_5, %get3A_6] : memref<4x4096xf32, #tpu.memory_space<vmem>>, vector<1x4096xf32>
    %get3A_8 = arith.constant 0 : index
    %get3A_9 = arith.constant 0 : index
    %get3A_10 = vector.load %arg3[%get3A_8, %get3A_9] : memref<16x4xf32, #tpu.memory_space<vmem>>, vector<1x1xf32>
    %sub3A = vector.broadcast %get3A_10 : vector<1x1xf32> to vector<1x4096xf32>
    %sub3A_11 = arith.subf %get3A_1, %sub3A : vector<1x4096xf32>
    %get3A_12 = arith.constant 0 : index
    %get3A_13 = arith.constant 1 : index
    %get3A_14 = vector.load %arg3[%get3A_12, %get3A_13] : memref<16x4xf32, #tpu.memory_space<vmem>>, vector<1x1xf32>
    %sub3A_15 = vector.broadcast %get3A_14 : vector<1x1xf32> to vector<1x4096xf32>
    %sub3A_16 = arith.subf %get3A_4, %sub3A_15 : vector<1x4096xf32>
    %get3A_17 = arith.constant 0 : index
    %get3A_18 = arith.constant 2 : index
    %get3A_19 = vector.load %arg3[%get3A_17, %get3A_18] : memref<16x4xf32, #tpu.memory_space<vmem>>, vector<1x1xf32>
    %sub3A_20 = vector.broadcast %get3A_19 : vector<1x1xf32> to vector<1x4096xf32>
    %sub3A_21 = arith.subf %get3A_7, %sub3A_20 : vector<1x4096xf32>
    %mul3A = arith.mulf %sub3A_11, %sub3A_11 : vector<1x4096xf32>
    %mul3A_22 = arith.mulf %sub3A_16, %sub3A_16 : vector<1x4096xf32>
    %add3A = arith.addf %mul3A, %mul3A_22 : vector<1x4096xf32>
    %mul3A_23 = arith.mulf %sub3A_21, %sub3A_21 : vector<1x4096xf32>
    %add3A_24 = arith.addf %add3A, %mul3A_23 : vector<1x4096xf32>
    %get3A_25 = arith.constant 1 : index
    %get3A_26 = arith.constant 0 : index
    %get3A_27 = vector.load %arg3[%get3A_25, %get3A_26] : memref<16x4xf32, #tpu.memory_space<vmem>>, vector<1x1xf32>
    %sub3A_28 = vector.broadcast %get3A_27 : vector<1x1xf32> to vector<1x4096xf32>
    %sub3A_29 = arith.subf %get3A_1, %sub3A_28 : vector<1x4096xf32>
    %get3A_30 = arith.constant 1 : index
    %get3A_31 = arith.constant 1 : index
    %get3A_32 = vector.load %arg3[%get3A_30, %get3A_31] : memref<16x4xf32, #tpu.memory_space<vmem>>, vector<1x1xf32>
    %sub3A_33 = vector.broadcast %get3A_32 : vector<1x1xf32> to vector<1x4096xf32>
    %sub3A_34 = arith.subf %get3A_4, %sub3A_33 : vector<1x4096xf32>
    %get3A_35 = arith.constant 1 : index
    %get3A_36 = arith.constant 2 : index
    %get3A_37 = vector.load %arg3[%get3A_35, %get3A_36] : memref<16x4xf32, #tpu.memory_space<vmem>>, vector<1x1xf32>
    %sub3A_38 = vector.broadcast %get3A_37 : vector<1x1xf32> to vector<1x4096xf32>
    %sub3A_39 = arith.subf %get3A_7, %sub3A_38 : vector<1x4096xf32>
    %mul3A_40 = arith.mulf %sub3A_29, %sub3A_29 : vector<1x4096xf32>
    %mul3A_41 = arith.mulf %sub3A_34, %sub3A_34 : vector<1x4096xf32>
    %add3A_42 = arith.addf %mul3A_40, %mul3A_41 : vector<1x4096xf32>
    %mul3A_43 = arith.mulf %sub3A_39, %sub3A_39 : vector<1x4096xf32>
    %add3A_44 = arith.addf %add3A_42, %mul3A_43 : vector<1x4096xf32>
    %get3A_45 = arith.constant 2 : index
    %get3A_46 = arith.constant 0 : index
    %get3A_47 = vector.load %arg3[%get3A_45, %get3A_46] : memref<16x4xf32, #tpu.memory_space<vmem>>, vector<1x1xf32>
    %sub3A_48 = vector.broadcast %get3A_47 : vector<1x1xf32> to vector<1x4096xf32>
    %sub3A_49 = arith.subf %get3A_1, %sub3A_48 : vector<1x4096xf32>
    %get3A_50 = arith.constant 2 : index
    %get3A_51 = arith.constant 1 : index
    %get3A_52 = vector.load %arg3[%get3A_50, %get3A_51] : memref<16x4xf32, #tpu.memory_space<vmem>>, vector<1x1xf32>
    %sub3A_53 = vector.broadcast %get3A_52 : vector<1x1xf32> to vector<1x4096xf32>
    %sub3A_54 = arith.subf %get3A_4, %sub3A_53 : vector<1x4096xf32>
    %get3A_55 = arith.constant 2 : index
    %get3A_56 = arith.constant 2 : index
    %get3A_57 = vector.load %arg3[%get3A_55, %get3A_56] : memref<16x4xf32, #tpu.memory_space<vmem>>, vector<1x1xf32>
    %sub3A_58 = vector.broadcast %get3A_57 : vector<1x1xf32> to vector<1x4096xf32>
    %sub3A_59 = arith.subf %get3A_7, %sub3A_58 : vector<1x4096xf32>
    %mul3A_60 = arith.mulf %sub3A_49, %sub3A_49 : vector<1x4096xf32>
    %mul3A_61 = arith.mulf %sub3A_54, %sub3A_54 : vector<1x4096xf32>
    %add3A_62 = arith.addf %mul3A_60, %mul3A_61 : vector<1x4096xf32>
    %mul3A_63 = arith.mulf %sub3A_59, %sub3A_59 : vector<1x4096xf32>
    %add3A_64 = arith.addf %add3A_62, %mul3A_63 : vector<1x4096xf32>
    %get3A_65 = arith.constant 3 : index
    %get3A_66 = arith.constant 0 : index
    %get3A_67 = vector.load %arg3[%get3A_65, %get3A_66] : memref<16x4xf32, #tpu.memory_space<vmem>>, vector<1x1xf32>
    %sub3A_68 = vector.broadcast %get3A_67 : vector<1x1xf32> to vector<1x4096xf32>
    %sub3A_69 = arith.subf %get3A_1, %sub3A_68 : vector<1x4096xf32>
    %get3A_70 = arith.constant 3 : index
    %get3A_71 = arith.constant 1 : index
    %get3A_72 = vector.load %arg3[%get3A_70, %get3A_71] : memref<16x4xf32, #tpu.memory_space<vmem>>, vector<1x1xf32>
    %sub3A_73 = vector.broadcast %get3A_72 : vector<1x1xf32> to vector<1x4096xf32>
    %sub3A_74 = arith.subf %get3A_4, %sub3A_73 : vector<1x4096xf32>
    %get3A_75 = arith.constant 3 : index
    %get3A_76 = arith.constant 2 : index
    %get3A_77 = vector.load %arg3[%get3A_75, %get3A_76] : memref<16x4xf32, #tpu.memory_space<vmem>>, vector<1x1xf32>
    %sub3A_78 = vector.broadcast %get3A_77 : vector<1x1xf32> to vector<1x4096xf32>
    %sub3A_79 = arith.subf %get3A_7, %sub3A_78 : vector<1x4096xf32>
    %mul3A_80 = arith.mulf %sub3A_69, %sub3A_69 : vector<1x4096xf32>
    %mul3A_81 = arith.mulf %sub3A_74, %sub3A_74 : vector<1x4096xf32>
    %add3A_82 = arith.addf %mul3A_80, %mul3A_81 : vector<1x4096xf32>
    %mul3A_83 = arith.mulf %sub3A_79, %sub3A_79 : vector<1x4096xf32>
    %add3A_84 = arith.addf %add3A_82, %mul3A_83 : vector<1x4096xf32>
    %get3A_85 = arith.constant 4 : index
    %get3A_86 = arith.constant 0 : index
    %get3A_87 = vector.load %arg3[%get3A_85, %get3A_86] : memref<16x4xf32, #tpu.memory_space<vmem>>, vector<1x1xf32>
    %sub3A_88 = vector.broadcast %get3A_87 : vector<1x1xf32> to vector<1x4096xf32>
    %sub3A_89 = arith.subf %get3A_1, %sub3A_88 : vector<1x4096xf32>
    %get3A_90 = arith.constant 4 : index
    %get3A_91 = arith.constant 1 : index
    %get3A_92 = vector.load %arg3[%get3A_90, %get3A_91] : memref<16x4xf32, #tpu.memory_space<vmem>>, vector<1x1xf32>
    %sub3A_93 = vector.broadcast %get3A_92 : vector<1x1xf32> to vector<1x4096xf32>
    %sub3A_94 = arith.subf %get3A_4, %sub3A_93 : vector<1x4096xf32>
    %get3A_95 = arith.constant 4 : index
    %get3A_96 = arith.constant 2 : index
    %get3A_97 = vector.load %arg3[%get3A_95, %get3A_96] : memref<16x4xf32, #tpu.memory_space<vmem>>, vector<1x1xf32>
    %sub3A_98 = vector.broadcast %get3A_97 : vector<1x1xf32> to vector<1x4096xf32>
    %sub3A_99 = arith.subf %get3A_7, %sub3A_98 : vector<1x4096xf32>
    %mul3A_100 = arith.mulf %sub3A_89, %sub3A_89 : vector<1x4096xf32>
    %mul3A_101 = arith.mulf %sub3A_94, %sub3A_94 : vector<1x4096xf32>
    %add3A_102 = arith.addf %mul3A_100, %mul3A_101 : vector<1x4096xf32>
    %mul3A_103 = arith.mulf %sub3A_99, %sub3A_99 : vector<1x4096xf32>
    %add3A_104 = arith.addf %add3A_102, %mul3A_103 : vector<1x4096xf32>
    %get3A_105 = arith.constant 5 : index
    %get3A_106 = arith.constant 0 : index
    %get3A_107 = vector.load %arg3[%get3A_105, %get3A_106] : memref<16x4xf32, #tpu.memory_space<vmem>>, vector<1x1xf32>
    %sub3A_108 = vector.broadcast %get3A_107 : vector<1x1xf32> to vector<1x4096xf32>
    %sub3A_109 = arith.subf %get3A_1, %sub3A_108 : vector<1x4096xf32>
    %get3A_110 = arith.constant 5 : index
    %get3A_111 = arith.constant 1 : index
    %get3A_112 = vector.load %arg3[%get3A_110, %get3A_111] : memref<16x4xf32, #tpu.memory_space<vmem>>, vector<1x1xf32>
    %sub3A_113 = vector.broadcast %get3A_112 : vector<1x1xf32> to vector<1x4096xf32>
    %sub3A_114 = arith.subf %get3A_4, %sub3A_113 : vector<1x4096xf32>
    %get3A_115 = arith.constant 5 : index
    %get3A_116 = arith.constant 2 : index
    %get3A_117 = vector.load %arg3[%get3A_115, %get3A_116] : memref<16x4xf32, #tpu.memory_space<vmem>>, vector<1x1xf32>
    %sub3A_118 = vector.broadcast %get3A_117 : vector<1x1xf32> to vector<1x4096xf32>
    %sub3A_119 = arith.subf %get3A_7, %sub3A_118 : vector<1x4096xf32>
    %mul3A_120 = arith.mulf %sub3A_109, %sub3A_109 : vector<1x4096xf32>
    %mul3A_121 = arith.mulf %sub3A_114, %sub3A_114 : vector<1x4096xf32>
    %add3A_122 = arith.addf %mul3A_120, %mul3A_121 : vector<1x4096xf32>
    %mul3A_123 = arith.mulf %sub3A_119, %sub3A_119 : vector<1x4096xf32>
    %add3A_124 = arith.addf %add3A_122, %mul3A_123 : vector<1x4096xf32>
    %get3A_125 = arith.constant 6 : index
    %get3A_126 = arith.constant 0 : index
    %get3A_127 = vector.load %arg3[%get3A_125, %get3A_126] : memref<16x4xf32, #tpu.memory_space<vmem>>, vector<1x1xf32>
    %sub3A_128 = vector.broadcast %get3A_127 : vector<1x1xf32> to vector<1x4096xf32>
    %sub3A_129 = arith.subf %get3A_1, %sub3A_128 : vector<1x4096xf32>
    %get3A_130 = arith.constant 6 : index
    %get3A_131 = arith.constant 1 : index
    %get3A_132 = vector.load %arg3[%get3A_130, %get3A_131] : memref<16x4xf32, #tpu.memory_space<vmem>>, vector<1x1xf32>
    %sub3A_133 = vector.broadcast %get3A_132 : vector<1x1xf32> to vector<1x4096xf32>
    %sub3A_134 = arith.subf %get3A_4, %sub3A_133 : vector<1x4096xf32>
    %get3A_135 = arith.constant 6 : index
    %get3A_136 = arith.constant 2 : index
    %get3A_137 = vector.load %arg3[%get3A_135, %get3A_136] : memref<16x4xf32, #tpu.memory_space<vmem>>, vector<1x1xf32>
    %sub3A_138 = vector.broadcast %get3A_137 : vector<1x1xf32> to vector<1x4096xf32>
    %sub3A_139 = arith.subf %get3A_7, %sub3A_138 : vector<1x4096xf32>
    %mul3A_140 = arith.mulf %sub3A_129, %sub3A_129 : vector<1x4096xf32>
    %mul3A_141 = arith.mulf %sub3A_134, %sub3A_134 : vector<1x4096xf32>
    %add3A_142 = arith.addf %mul3A_140, %mul3A_141 : vector<1x4096xf32>
    %mul3A_143 = arith.mulf %sub3A_139, %sub3A_139 : vector<1x4096xf32>
    %add3A_144 = arith.addf %add3A_142, %mul3A_143 : vector<1x4096xf32>
    %get3A_145 = arith.constant 7 : index
    %get3A_146 = arith.constant 0 : index
    %get3A_147 = vector.load %arg3[%get3A_145, %get3A_146] : memref<16x4xf32, #tpu.memory_space<vmem>>, vector<1x1xf32>
    %sub3A_148 = vector.broadcast %get3A_147 : vector<1x1xf32> to vector<1x4096xf32>
    %sub3A_149 = arith.subf %get3A_1, %sub3A_148 : vector<1x4096xf32>
    %get3A_150 = arith.constant 7 : index
    %get3A_151 = arith.constant 1 : index
    %get3A_152 = vector.load %arg3[%get3A_150, %get3A_151] : memref<16x4xf32, #tpu.memory_space<vmem>>, vector<1x1xf32>
    %sub3A_153 = vector.broadcast %get3A_152 : vector<1x1xf32> to vector<1x4096xf32>
    %sub3A_154 = arith.subf %get3A_4, %sub3A_153 : vector<1x4096xf32>
    %get3A_155 = arith.constant 7 : index
    %get3A_156 = arith.constant 2 : index
    %get3A_157 = vector.load %arg3[%get3A_155, %get3A_156] : memref<16x4xf32, #tpu.memory_space<vmem>>, vector<1x1xf32>
    %sub3A_158 = vector.broadcast %get3A_157 : vector<1x1xf32> to vector<1x4096xf32>
    %sub3A_159 = arith.subf %get3A_7, %sub3A_158 : vector<1x4096xf32>
    %mul3A_160 = arith.mulf %sub3A_149, %sub3A_149 : vector<1x4096xf32>
    %mul3A_161 = arith.mulf %sub3A_154, %sub3A_154 : vector<1x4096xf32>
    %add3A_162 = arith.addf %mul3A_160, %mul3A_161 : vector<1x4096xf32>
    %mul3A_163 = arith.mulf %sub3A_159, %sub3A_159 : vector<1x4096xf32>
    %add3A_164 = arith.addf %add3A_162, %mul3A_163 : vector<1x4096xf32>
    %get3A_165 = arith.constant 8 : index
    %get3A_166 = arith.constant 0 : index
    %get3A_167 = vector.load %arg3[%get3A_165, %get3A_166] : memref<16x4xf32, #tpu.memory_space<vmem>>, vector<1x1xf32>
    %sub3A_168 = vector.broadcast %get3A_167 : vector<1x1xf32> to vector<1x4096xf32>
    %sub3A_169 = arith.subf %get3A_1, %sub3A_168 : vector<1x4096xf32>
    %get3A_170 = arith.constant 8 : index
    %get3A_171 = arith.constant 1 : index
    %get3A_172 = vector.load %arg3[%get3A_170, %get3A_171] : memref<16x4xf32, #tpu.memory_space<vmem>>, vector<1x1xf32>
    %sub3A_173 = vector.broadcast %get3A_172 : vector<1x1xf32> to vector<1x4096xf32>
    %sub3A_174 = arith.subf %get3A_4, %sub3A_173 : vector<1x4096xf32>
    %get3A_175 = arith.constant 8 : index
    %get3A_176 = arith.constant 2 : index
    %get3A_177 = vector.load %arg3[%get3A_175, %get3A_176] : memref<16x4xf32, #tpu.memory_space<vmem>>, vector<1x1xf32>
    %sub3A_178 = vector.broadcast %get3A_177 : vector<1x1xf32> to vector<1x4096xf32>
    %sub3A_179 = arith.subf %get3A_7, %sub3A_178 : vector<1x4096xf32>
    %mul3A_180 = arith.mulf %sub3A_169, %sub3A_169 : vector<1x4096xf32>
    %mul3A_181 = arith.mulf %sub3A_174, %sub3A_174 : vector<1x4096xf32>
    %add3A_182 = arith.addf %mul3A_180, %mul3A_181 : vector<1x4096xf32>
    %mul3A_183 = arith.mulf %sub3A_179, %sub3A_179 : vector<1x4096xf32>
    %add3A_184 = arith.addf %add3A_182, %mul3A_183 : vector<1x4096xf32>
    %get3A_185 = arith.constant 9 : index
    %get3A_186 = arith.constant 0 : index
    %get3A_187 = vector.load %arg3[%get3A_185, %get3A_186] : memref<16x4xf32, #tpu.memory_space<vmem>>, vector<1x1xf32>
    %sub3A_188 = vector.broadcast %get3A_187 : vector<1x1xf32> to vector<1x4096xf32>
    %sub3A_189 = arith.subf %get3A_1, %sub3A_188 : vector<1x4096xf32>
    %get3A_190 = arith.constant 9 : index
    %get3A_191 = arith.constant 1 : index
    %get3A_192 = vector.load %arg3[%get3A_190, %get3A_191] : memref<16x4xf32, #tpu.memory_space<vmem>>, vector<1x1xf32>
    %sub3A_193 = vector.broadcast %get3A_192 : vector<1x1xf32> to vector<1x4096xf32>
    %sub3A_194 = arith.subf %get3A_4, %sub3A_193 : vector<1x4096xf32>
    %get3A_195 = arith.constant 9 : index
    %get3A_196 = arith.constant 2 : index
    %get3A_197 = vector.load %arg3[%get3A_195, %get3A_196] : memref<16x4xf32, #tpu.memory_space<vmem>>, vector<1x1xf32>
    %sub3A_198 = vector.broadcast %get3A_197 : vector<1x1xf32> to vector<1x4096xf32>
    %sub3A_199 = arith.subf %get3A_7, %sub3A_198 : vector<1x4096xf32>
    %mul3A_200 = arith.mulf %sub3A_189, %sub3A_189 : vector<1x4096xf32>
    %mul3A_201 = arith.mulf %sub3A_194, %sub3A_194 : vector<1x4096xf32>
    %add3A_202 = arith.addf %mul3A_200, %mul3A_201 : vector<1x4096xf32>
    %mul3A_203 = arith.mulf %sub3A_199, %sub3A_199 : vector<1x4096xf32>
    %add3A_204 = arith.addf %add3A_202, %mul3A_203 : vector<1x4096xf32>
    %get3A_205 = arith.constant 10 : index
    %get3A_206 = arith.constant 0 : index
    %get3A_207 = vector.load %arg3[%get3A_205, %get3A_206] : memref<16x4xf32, #tpu.memory_space<vmem>>, vector<1x1xf32>
    %sub3A_208 = vector.broadcast %get3A_207 : vector<1x1xf32> to vector<1x4096xf32>
    %sub3A_209 = arith.subf %get3A_1, %sub3A_208 : vector<1x4096xf32>
    %get3A_210 = arith.constant 10 : index
    %get3A_211 = arith.constant 1 : index
    %get3A_212 = vector.load %arg3[%get3A_210, %get3A_211] : memref<16x4xf32, #tpu.memory_space<vmem>>, vector<1x1xf32>
    %sub3A_213 = vector.broadcast %get3A_212 : vector<1x1xf32> to vector<1x4096xf32>
    %sub3A_214 = arith.subf %get3A_4, %sub3A_213 : vector<1x4096xf32>
    %get3A_215 = arith.constant 10 : index
    %get3A_216 = arith.constant 2 : index
    %get3A_217 = vector.load %arg3[%get3A_215, %get3A_216] : memref<16x4xf32, #tpu.memory_space<vmem>>, vector<1x1xf32>
    %sub3A_218 = vector.broadcast %get3A_217 : vector<1x1xf32> to vector<1x4096xf32>
    %sub3A_219 = arith.subf %get3A_7, %sub3A_218 : vector<1x4096xf32>
    %mul3A_220 = arith.mulf %sub3A_209, %sub3A_209 : vector<1x4096xf32>
    %mul3A_221 = arith.mulf %sub3A_214, %sub3A_214 : vector<1x4096xf32>
    %add3A_222 = arith.addf %mul3A_220, %mul3A_221 : vector<1x4096xf32>
    %mul3A_223 = arith.mulf %sub3A_219, %sub3A_219 : vector<1x4096xf32>
    %add3A_224 = arith.addf %add3A_222, %mul3A_223 : vector<1x4096xf32>
    %get3A_225 = arith.constant 11 : index
    %get3A_226 = arith.constant 0 : index
    %get3A_227 = vector.load %arg3[%get3A_225, %get3A_226] : memref<16x4xf32, #tpu.memory_space<vmem>>, vector<1x1xf32>
    %sub3A_228 = vector.broadcast %get3A_227 : vector<1x1xf32> to vector<1x4096xf32>
    %sub3A_229 = arith.subf %get3A_1, %sub3A_228 : vector<1x4096xf32>
    %get3A_230 = arith.constant 11 : index
    %get3A_231 = arith.constant 1 : index
    %get3A_232 = vector.load %arg3[%get3A_230, %get3A_231] : memref<16x4xf32, #tpu.memory_space<vmem>>, vector<1x1xf32>
    %sub3A_233 = vector.broadcast %get3A_232 : vector<1x1xf32> to vector<1x4096xf32>
    %sub3A_234 = arith.subf %get3A_4, %sub3A_233 : vector<1x4096xf32>
    %get3A_235 = arith.constant 11 : index
    %get3A_236 = arith.constant 2 : index
    %get3A_237 = vector.load %arg3[%get3A_235, %get3A_236] : memref<16x4xf32, #tpu.memory_space<vmem>>, vector<1x1xf32>
    %sub3A_238 = vector.broadcast %get3A_237 : vector<1x1xf32> to vector<1x4096xf32>
    %sub3A_239 = arith.subf %get3A_7, %sub3A_238 : vector<1x4096xf32>
    %mul3A_240 = arith.mulf %sub3A_229, %sub3A_229 : vector<1x4096xf32>
    %mul3A_241 = arith.mulf %sub3A_234, %sub3A_234 : vector<1x4096xf32>
    %add3A_242 = arith.addf %mul3A_240, %mul3A_241 : vector<1x4096xf32>
    %mul3A_243 = arith.mulf %sub3A_239, %sub3A_239 : vector<1x4096xf32>
    %add3A_244 = arith.addf %add3A_242, %mul3A_243 : vector<1x4096xf32>
    %get3A_245 = arith.constant 12 : index
    %get3A_246 = arith.constant 0 : index
    %get3A_247 = vector.load %arg3[%get3A_245, %get3A_246] : memref<16x4xf32, #tpu.memory_space<vmem>>, vector<1x1xf32>
    %sub3A_248 = vector.broadcast %get3A_247 : vector<1x1xf32> to vector<1x4096xf32>
    %sub3A_249 = arith.subf %get3A_1, %sub3A_248 : vector<1x4096xf32>
    %get3A_250 = arith.constant 12 : index
    %get3A_251 = arith.constant 1 : index
    %get3A_252 = vector.load %arg3[%get3A_250, %get3A_251] : memref<16x4xf32, #tpu.memory_space<vmem>>, vector<1x1xf32>
    %sub3A_253 = vector.broadcast %get3A_252 : vector<1x1xf32> to vector<1x4096xf32>
    %sub3A_254 = arith.subf %get3A_4, %sub3A_253 : vector<1x4096xf32>
    %get3A_255 = arith.constant 12 : index
    %get3A_256 = arith.constant 2 : index
    %get3A_257 = vector.load %arg3[%get3A_255, %get3A_256] : memref<16x4xf32, #tpu.memory_space<vmem>>, vector<1x1xf32>
    %sub3A_258 = vector.broadcast %get3A_257 : vector<1x1xf32> to vector<1x4096xf32>
    %sub3A_259 = arith.subf %get3A_7, %sub3A_258 : vector<1x4096xf32>
    %mul3A_260 = arith.mulf %sub3A_249, %sub3A_249 : vector<1x4096xf32>
    %mul3A_261 = arith.mulf %sub3A_254, %sub3A_254 : vector<1x4096xf32>
    %add3A_262 = arith.addf %mul3A_260, %mul3A_261 : vector<1x4096xf32>
    %mul3A_263 = arith.mulf %sub3A_259, %sub3A_259 : vector<1x4096xf32>
    %add3A_264 = arith.addf %add3A_262, %mul3A_263 : vector<1x4096xf32>
    %get3A_265 = arith.constant 13 : index
    %get3A_266 = arith.constant 0 : index
    %get3A_267 = vector.load %arg3[%get3A_265, %get3A_266] : memref<16x4xf32, #tpu.memory_space<vmem>>, vector<1x1xf32>
    %sub3A_268 = vector.broadcast %get3A_267 : vector<1x1xf32> to vector<1x4096xf32>
    %sub3A_269 = arith.subf %get3A_1, %sub3A_268 : vector<1x4096xf32>
    %get3A_270 = arith.constant 13 : index
    %get3A_271 = arith.constant 1 : index
    %get3A_272 = vector.load %arg3[%get3A_270, %get3A_271] : memref<16x4xf32, #tpu.memory_space<vmem>>, vector<1x1xf32>
    %sub3A_273 = vector.broadcast %get3A_272 : vector<1x1xf32> to vector<1x4096xf32>
    %sub3A_274 = arith.subf %get3A_4, %sub3A_273 : vector<1x4096xf32>
    %get3A_275 = arith.constant 13 : index
    %get3A_276 = arith.constant 2 : index
    %get3A_277 = vector.load %arg3[%get3A_275, %get3A_276] : memref<16x4xf32, #tpu.memory_space<vmem>>, vector<1x1xf32>
    %sub3A_278 = vector.broadcast %get3A_277 : vector<1x1xf32> to vector<1x4096xf32>
    %sub3A_279 = arith.subf %get3A_7, %sub3A_278 : vector<1x4096xf32>
    %mul3A_280 = arith.mulf %sub3A_269, %sub3A_269 : vector<1x4096xf32>
    %mul3A_281 = arith.mulf %sub3A_274, %sub3A_274 : vector<1x4096xf32>
    %add3A_282 = arith.addf %mul3A_280, %mul3A_281 : vector<1x4096xf32>
    %mul3A_283 = arith.mulf %sub3A_279, %sub3A_279 : vector<1x4096xf32>
    %add3A_284 = arith.addf %add3A_282, %mul3A_283 : vector<1x4096xf32>
    %get3A_285 = arith.constant 14 : index
    %get3A_286 = arith.constant 0 : index
    %get3A_287 = vector.load %arg3[%get3A_285, %get3A_286] : memref<16x4xf32, #tpu.memory_space<vmem>>, vector<1x1xf32>
    %sub3A_288 = vector.broadcast %get3A_287 : vector<1x1xf32> to vector<1x4096xf32>
    %sub3A_289 = arith.subf %get3A_1, %sub3A_288 : vector<1x4096xf32>
    %get3A_290 = arith.constant 14 : index
    %get3A_291 = arith.constant 1 : index
    %get3A_292 = vector.load %arg3[%get3A_290, %get3A_291] : memref<16x4xf32, #tpu.memory_space<vmem>>, vector<1x1xf32>
    %sub3A_293 = vector.broadcast %get3A_292 : vector<1x1xf32> to vector<1x4096xf32>
    %sub3A_294 = arith.subf %get3A_4, %sub3A_293 : vector<1x4096xf32>
    %get3A_295 = arith.constant 14 : index
    %get3A_296 = arith.constant 2 : index
    %get3A_297 = vector.load %arg3[%get3A_295, %get3A_296] : memref<16x4xf32, #tpu.memory_space<vmem>>, vector<1x1xf32>
    %sub3A_298 = vector.broadcast %get3A_297 : vector<1x1xf32> to vector<1x4096xf32>
    %sub3A_299 = arith.subf %get3A_7, %sub3A_298 : vector<1x4096xf32>
    %mul3A_300 = arith.mulf %sub3A_289, %sub3A_289 : vector<1x4096xf32>
    %mul3A_301 = arith.mulf %sub3A_294, %sub3A_294 : vector<1x4096xf32>
    %add3A_302 = arith.addf %mul3A_300, %mul3A_301 : vector<1x4096xf32>
    %mul3A_303 = arith.mulf %sub3A_299, %sub3A_299 : vector<1x4096xf32>
    %add3A_304 = arith.addf %add3A_302, %mul3A_303 : vector<1x4096xf32>
    %get3A_305 = arith.constant 15 : index
    %get3A_306 = arith.constant 0 : index
    %get3A_307 = vector.load %arg3[%get3A_305, %get3A_306] : memref<16x4xf32, #tpu.memory_space<vmem>>, vector<1x1xf32>
    %sub3A_308 = vector.broadcast %get3A_307 : vector<1x1xf32> to vector<1x4096xf32>
    %sub3A_309 = arith.subf %get3A_1, %sub3A_308 : vector<1x4096xf32>
    %get3A_310 = arith.constant 15 : index
    %get3A_311 = arith.constant 1 : index
    %get3A_312 = vector.load %arg3[%get3A_310, %get3A_311] : memref<16x4xf32, #tpu.memory_space<vmem>>, vector<1x1xf32>
    %sub3A_313 = vector.broadcast %get3A_312 : vector<1x1xf32> to vector<1x4096xf32>
    %sub3A_314 = arith.subf %get3A_4, %sub3A_313 : vector<1x4096xf32>
    %get3A_315 = arith.constant 15 : index
    %get3A_316 = arith.constant 2 : index
    %get3A_317 = vector.load %arg3[%get3A_315, %get3A_316] : memref<16x4xf32, #tpu.memory_space<vmem>>, vector<1x1xf32>
    %sub3A_318 = vector.broadcast %get3A_317 : vector<1x1xf32> to vector<1x4096xf32>
    %sub3A_319 = arith.subf %get3A_7, %sub3A_318 : vector<1x4096xf32>
    %mul3A_320 = arith.mulf %sub3A_309, %sub3A_309 : vector<1x4096xf32>
    %mul3A_321 = arith.mulf %sub3A_314, %sub3A_314 : vector<1x4096xf32>
    %add3A_322 = arith.addf %mul3A_320, %mul3A_321 : vector<1x4096xf32>
    %mul3A_323 = arith.mulf %sub3A_319, %sub3A_319 : vector<1x4096xf32>
    %add3A_324 = arith.addf %add3A_322, %mul3A_323 : vector<1x4096xf32>
    %concatenate3A = tpu.concatenate %add3A_24, %add3A_44, %add3A_64, %add3A_84, %add3A_104, %add3A_124, %add3A_144, %add3A_164, %add3A_184, %add3A_204, %add3A_224, %add3A_244, %add3A_264, %add3A_284, %add3A_304, %add3A_324 in 0 : vector<1x4096xf32>, vector<1x4096xf32>, vector<1x4096xf32>, vector<1x4096xf32>, vector<1x4096xf32>, vector<1x4096xf32>, vector<1x4096xf32>, vector<1x4096xf32>, vector<1x4096xf32>, vector<1x4096xf32>, vector<1x4096xf32>, vector<1x4096xf32>, vector<1x4096xf32>, vector<1x4096xf32>, vector<1x4096xf32>, vector<1x4096xf32> -> vector<16x4096xf32>
    %reduce_min3A = arith.constant dense<0x7F800000> : vector<4096xf32>
    %reduce_min3A_325 = vector.multi_reduction <minimumf>, %concatenate3A, %reduce_min3A [0] : vector<16x4096xf32> to vector<4096xf32>
    %broadcast_in_dim3A = vector.shape_cast %reduce_min3A_325 : vector<4096xf32> to vector<1x4096xf32>
    %iota3A = tpu.iota {dimensions = array<i32: 0>} : vector<16x4096xi32>
    %eq3A = vector.broadcast %broadcast_in_dim3A : vector<1x4096xf32> to vector<16x4096xf32>
    %eq3A_326 = arith.cmpf oeq, %concatenate3A, %eq3A : vector<16x4096xf32>
    %jit3A = arith.constant 16 : i32
    %broadcast_in_dim3A_327 = vector.broadcast %jit3A : i32 to vector<16x4096xi32>
    %select_n3A = arith.select %eq3A_326, %iota3A, %broadcast_in_dim3A_327 : vector<16x4096xi1>, vector<16x4096xi32>
    %reduce_min3A_328 = arith.constant dense<2147483647> : vector<4096xi32>
    %reduce_min3A_329 = vector.multi_reduction <minsi>, %select_n3A, %reduce_min3A_328 [0] : vector<16x4096xi32> to vector<4096xi32>
    %broadcast_in_dim3A_330 = vector.shape_cast %reduce_min3A_329 : vector<4096xi32> to vector<1x4096xi32>
    %transpose3A = tpu.transpose %broadcast_in_dim3A_330, [1, 0] : vector<1x4096xi32> -> vector<4096x1xi32>
    %iota3A_331 = tpu.iota {dimensions = array<i32: 1>} : vector<4096x512xi32>
    %jit3A_332 = arith.constant 32 : i32
    %div3A = vector.broadcast %jit3A_332 : i32 to vector<4096x512xi32>
    %div3A_333 = arith.divsi %iota3A_331, %div3A : vector<4096x512xi32>
    %sign3A = arith.constant 0 : i32
    %sign3A_334 = vector.broadcast %sign3A : i32 to vector<4096x512xi32>
    %sign3A_335 = arith.cmpi sgt, %iota3A_331, %sign3A_334 : vector<4096x512xi32>
    %sign3A_336 = arith.extui %sign3A_335 : vector<4096x512xi1> to vector<4096x512xi32>
    %sign3A_337 = arith.constant 0 : i32
    %sign3A_338 = vector.broadcast %sign3A_337 : i32 to vector<4096x512xi32>
    %sign3A_339 = arith.cmpi slt, %iota3A_331, %sign3A_338 : vector<4096x512xi32>
    %sign3A_340 = arith.extui %sign3A_339 : vector<4096x512xi1> to vector<4096x512xi32>
    %sign3A_341 = arith.subi %sign3A_336, %sign3A_340 : vector<4096x512xi32>
    %sign3A_342 = arith.constant 0 : i32
    %sign3A_343 = arith.cmpi sgt, %jit3A_332, %sign3A_342 : i32
    %sign3A_344 = arith.extui %sign3A_343 : i1 to i32
    %sign3A_345 = arith.constant 0 : i32
    %sign3A_346 = arith.cmpi slt, %jit3A_332, %sign3A_345 : i32
    %sign3A_347 = arith.extui %sign3A_346 : i1 to i32
    %sign3A_348 = arith.subi %sign3A_344, %sign3A_347 : i32
    %ne3A = vector.broadcast %sign3A_348 : i32 to vector<4096x512xi32>
    %ne3A_349 = arith.cmpi ne, %sign3A_341, %ne3A : vector<4096x512xi32>
    %rem3A = vector.broadcast %jit3A_332 : i32 to vector<4096x512xi32>
    %rem3A_350 = arith.remsi %iota3A_331, %rem3A : vector<4096x512xi32>
    %ne3A_351 = arith.constant 0 : i32
    %ne3A_352 = vector.broadcast %ne3A_351 : i32 to vector<4096x512xi32>
    %ne3A_353 = arith.cmpi ne, %rem3A_350, %ne3A_352 : vector<4096x512xi32>
    %and3A = arith.andi %ne3A_349, %ne3A_353 : vector<4096x512xi1>
    %sub3A_354 = arith.constant 1 : i32
    %sub3A_355 = vector.broadcast %sub3A_354 : i32 to vector<4096x512xi32>
    %sub3A_356 = arith.subi %div3A_333, %sub3A_355 : vector<4096x512xi32>
    %select_n3A_357 = arith.select %and3A, %sub3A_356, %div3A_333 : vector<4096x512xi1>, vector<4096x512xi32>
    %get3A_358 = arith.constant 0 : index
    %get3A_359 = arith.constant 0 : index
    %get3A_360 = vector.load %arg2[%get3A_358, %get3A_359] : memref<4096x32xf32, #tpu.memory_space<vmem>>, vector<4096x32xf32>
    %convert_element_type3A = arith.truncf %get3A_360 : vector<4096x32xf32> to vector<4096x32xbf16>
    %eq3A_361 = vector.broadcast %transpose3A : vector<4096x1xi32> to vector<4096x512xi32>
    %eq3A_362 = arith.cmpi eq, %select_n3A_357, %eq3A_361 : vector<4096x512xi32>
    %concatenate3A_363 = tpu.concatenate %convert_element_type3A, %convert_element_type3A, %convert_element_type3A, %convert_element_type3A, %convert_element_type3A, %convert_element_type3A, %convert_element_type3A, %convert_element_type3A, %convert_element_type3A, %convert_element_type3A, %convert_element_type3A, %convert_element_type3A, %convert_element_type3A, %convert_element_type3A, %convert_element_type3A, %convert_element_type3A in 1 : vector<4096x32xbf16>, vector<4096x32xbf16>, vector<4096x32xbf16>, vector<4096x32xbf16>, vector<4096x32xbf16>, vector<4096x32xbf16>, vector<4096x32xbf16>, vector<4096x32xbf16>, vector<4096x32xbf16>, vector<4096x32xbf16>, vector<4096x32xbf16>, vector<4096x32xbf16>, vector<4096x32xbf16>, vector<4096x32xbf16>, vector<4096x32xbf16>, vector<4096x32xbf16> -> vector<4096x512xbf16>
    %jit3A_364 = arith.constant 0.000000e+00 : bf16
    %broadcast_in_dim3A_365 = vector.broadcast %jit3A_364 : bf16 to vector<4096x512xbf16>
    %select_n3A_366 = arith.select %eq3A_362, %concatenate3A_363, %broadcast_in_dim3A_365 : vector<4096x512xi1>, vector<4096x512xbf16>
    %get3A_367 = arith.constant 0 : index
    %get3A_368 = arith.constant 0 : index
    %get3A_369 = vector.load %arg4[%get3A_367, %get3A_368] : memref<512x32xbf16, #tpu.memory_space<vmem>>, vector<512x32xbf16>
    %dot_general3A = arith.constant dense<0.000000e+00> : vector<4096x32xf32>
    %dot_general3A_370 = tpu.matmul %select_n3A_366, %get3A_369, %dot_general3A {dimension_numbers = #tpu.dot_dimension_numbers<[1], [0], [0], [1], [0, 0, 1, 1], [], []>, transpose_lhs_hint = false} : vector<4096x512xbf16>, vector<512x32xbf16>, vector<4096x32xf32> -> vector<4096x32xf32>
    %swap3A = arith.constant 0 : index
    %swap3A_371 = arith.constant 0 : index
    %swap3A_372 = vector.load %arg5[%swap3A, %swap3A_371] : memref<4096x32xf32, #tpu.memory_space<vmem>>, vector<4096x32xf32>
    tpu.vector_store %arg5[%swap3A, %swap3A_371], %dot_general3A_370 {strides = array<i32>} : memref<4096x32xf32, #tpu.memory_space<vmem>>, vector<4096x32xf32>,
    return
  }
  func.func @transform_0(%arg0: i32) -> (i32, i32) {
    %c0_i32 = arith.constant 0 : i32
    %c0_i32_0 = arith.constant 0 : i32
    return %c0_i32, %arg0 : i32, i32
  }
  func.func @transform_1(%arg0: i32) -> (i32, i32) {
    %c0_i32 = arith.constant 0 : i32
    %c0_i32_0 = arith.constant 0 : i32
    return %arg0, %c0_i32 : i32, i32
  }
  func.func @transform_2(%arg0: i32) -> (i32, i32) {
    %c0_i32 = arith.constant 0 : i32
    %c0_i32_0 = arith.constant 0 : i32
    %c0_i32_1 = arith.constant 0 : i32
    return %c0_i32, %c0_i32_0 : i32, i32
  }
  func.func @transform_3(%arg0: i32) -> (i32, i32) {
    %c0_i32 = arith.constant 0 : i32
    %c0_i32_0 = arith.constant 0 : i32
    %c0_i32_1 = arith.constant 0 : i32
    return %c0_i32, %c0_i32_0 : i32, i32
  }
  func.func @transform_4(%arg0: i32) -> (i32, i32) {
    %c0_i32 = arith.constant 0 : i32
    %c0_i32_0 = arith.constant 0 : i32
    return %arg0, %c0_i32 : i32, i32
  }
}

</mosaic_0001>

<sc_bundles>
// kernel: kernel.5.cloned.1.call-start
scs
__scs_entry_jumppad:
0x0: {  	(pc) =	sbr.rel $0x88, $3  }
0x1: {  	(tag) =	ssettag $0x0;
	lr =	simm.s32 $0x1  }
0x2: {  	[smem:$0x3F9B] =	sst lr;
	_ =	strace $0xD0000000  }
0x3: {  	_ = 	snop  }
0x4: {  	_ = 	snop  }
0x5: {  	_ = 	snop  }
0x6: {  	_ = 	snop  }
0x7: {  	_ = 	snop  }
__scs_overlays_trampoline_lowered:
0x8: {  	[smem:$0x3FAA] =	sst s0  }
0x9: {  	[smem:$0x3FAB] =	sst s1  }
0xa: {  	[smem:$0x3FAC] =	sst s2  }
0xb: {  	[smem:$0x3FAD] =	sst s3  }
0xc: {  	[smem:$0x3FAE] =	sst s4  }
0xd: {  	[smem:$0x3FAF] =	sst s5  }
0xe: {  	[smem:$0x3FB0] =	sst s6  }
0xf: {  	[smem:$0x3FB1] =	sst s7  }
0x10: {  	[smem:$0x3FB2] =	sst s8  }
0x11: {  	[smem:$0x3FB3] =	sst s9;
	s0 =	simm.s32 @!p0 $0x0  }
0x12: {  	s1 =	sld [smem:$0x3F99];
	s0 =	simm.s32 @p0 $0x1  }
0x13: {  	[smem:$0x3FB4] =	sst s0;
	s0 =	simm.s32 @!p1 $0x0  }
0x14: {  	s2 =	sld [smem:$0x3F98];
	s0 =	simm.s32 @p1 $0x1  }
0x15: {  	[smem:$0x3FB5] =	sst s0;
	s0 =	simm.s32 @!p2 $0x0  }
0x16: {  	s3 =	sld [smem:$0x3FDB];
	s0 =	simm.s32 @p2 $0x1  }
0x17: {  	s4 =	simm.s32 $0x1BF5;
	[smem:$0x3FB7] =	sst s0  }
0x18: {  	s0 =	sld [smem:$0x3F9A];
	_ =	swait.ge [sflag:s4], $0x0  }
0x19: {  	s7 =	sld [smem:$0x3F9B]  }
0x1a: {  	s8 =	sadd.s32 $0xFFFFE003, lr  }
0x1b: {  	s9 =	sadd.s32 $0xFFFFFEF7, lr;
	s5 =	simm.s32 $0xFFFFFFFF;
	p2 =	slt.u32 s8, $0xFFFFF086  }
0x1c: {  	p1 =	slt.u32 s9, $0xF7A;
	s5 =	simm.s32 @!p2 $0x0  }
0x1d: {  	s5 =	simm.s32 @p1 $0x1;
	p0 =	seq.s32 s7, s2  }
0x1e: {  	s7 =	smul.u32 @!p0 $0xF7A, s2;
	p2 =	seq.s32 @!p0 s5, $0x0  }
0x1f: {  	s9 =	smul.u32 $0xF7A, s1;
	s8 =	simm.s32 @!p0 $0x1BF5;
	p2 =	por !p2, p0  }
0x20: {  	[sflag:s8] =	ssyncset.s32 @!p0 $0xFFFFF086;
	s6 =	sadd.s32 @!p0 s3, s7;
	s7 =	simm.s32 @!p0 $0x108  }
0x21: {  	s3 =	sadd.s32 s3, s9;
	s6 =	sadd.s32 @!p0 $0x88, s6;
	s7 =	simm.s32 @p2 $0x1082  }
0x22: {  	[simem:s7], [sflag:s8] =	dma.local @!p0 [hbm:s6], $0xF7A  }
0x23: {  	s9 =	sor.u32 $0xD0000000, s2;
	s6 =	simm.s32 $0x108;
	_ =	swait.ge @!p0 [sflag:s8], $0x0  }
0x24: {  	s3 =	sadd.s32 $0x88, s3;
	s6 =	simm.s32 @!p1 $0x1082;
	[sflag:s4] =	ssyncset.s32 $0xFFFFF086  }
0x25: {  	[simem:s6], [sflag:s4] =	dma.local [hbm:s3], $0xF7A  }
0x26: {  	[smem:$0x3F9B] =	sst s1;
	(tag) =	ssettag s2;
	_ =	strace s9  }
0x27: {  	s1 =	sld [smem:$0x3FAB]  }
0x28: {  	s2 =	sld [smem:$0x3FAC]  }
0x29: {  	s4 =	sld [smem:$0x3FAE]  }
0x2a: {  	p0 =	seq.s32 s5, $0x0;
	s5 =	sld [smem:$0x3FAF]  }
0x2b: {  	s6 =	sld [smem:$0x3FB0]  }
0x2c: {  	s7 =	sld [smem:$0x3FB1]  }
0x2d: {  	s3 =	simm.s32 $0x108;
	s8 =	sld [smem:$0x3FB2]  }
0x2e: {  	s3 =	simm.s32 @!p0 $0x1082;
	s9 =	sld [smem:$0x3FB3]  }
0x2f: {  	lr =	sadd.s32 s0, s3;
	s0 =	sld [smem:$0x3FAA]  }
0x30: {  	s3 =	sld [smem:$0x3FAD]  }
0x31: {  	[smem:$0x3FB6] =	sst s10  }
0x32: {  	s10 =	sld [smem:$0x3FB4];
	_ =	sdelay $0x3  }
0x33: {  	p0 =	seq.s32 s10, $0x1;
	s10 =	sld [smem:$0x3FB6];
	_ =	sdelay $0x3  }
0x34: {  	[smem:$0x3FB6] =	sst s10  }
0x35: {  	s10 =	sld [smem:$0x3FB5];
	_ =	sdelay $0x3  }
0x36: {  	p1 =	seq.s32 s10, $0x1;
	s10 =	sld [smem:$0x3FB6];
	_ =	sdelay $0x3  }
0x37: {  	[smem:$0x3FB6] =	sst s10  }
0x38: {  	s10 =	sld [smem:$0x3FB7]  }
0x39: {  	_ = 	snop;
	(pc) =	sbr.ind lr, $3  }
0x3a: {  	_ = 	snop  }
0x3b: {  	_ = 	snop  }
0x3c: {  	p2 =	seq.s32 s10, $0x1;
	s10 =	sld [smem:$0x3FB6]  }
0x3d: {  	_ =	shalt  }
0x3e: {  	_ =	shalt  }
0x3f: {  	_ =	shalt  }
0x40: {  	_ =	shalt  }
0x41: {  	_ =	shalt  }
0x42: {  	_ =	shalt  }
0x43: {  	_ =	shalt  }
0x44: {  	_ =	shalt  }
0x45: {  	_ =	shalt  }
0x46: {  	_ =	shalt  }
0x47: {  	_ =	shalt  }
0x48: {  	_ =	shalt  }
0x49: {  	_ =	shalt  }
0x4a: {  	_ =	shalt  }
0x4b: {  	_ =	shalt  }
0x4c: {  	_ =	shalt  }
0x4d: {  	_ =	shalt  }
0x4e: {  	_ =	shalt  }
0x4f: {  	_ =	shalt  }
0x50: {  	_ =	shalt  }
0x51: {  	_ =	shalt  }
0x52: {  	_ =	shalt  }
0x53: {  	_ =	shalt  }
0x54: {  	_ =	shalt  }
0x55: {  	_ =	shalt  }
0x56: {  	_ =	shalt  }
0x57: {  	_ =	shalt  }
0x58: {  	_ =	shalt  }
0x59: {  	_ =	shalt  }
0x5a: {  	_ =	shalt  }
0x5b: {  	_ =	shalt  }
0x5c: {  	_ =	shalt  }
0x5d: {  	_ =	shalt  }
0x5e: {  	_ =	shalt  }
0x5f: {  	_ =	shalt  }
0x60: {  	_ =	shalt  }
0x61: {  	_ =	shalt  }
0x62: {  	_ =	shalt  }
0x63: {  	_ =	shalt  }
0x64: {  	_ =	shalt  }
0x65: {  	_ =	shalt  }
0x66: {  	_ =	shalt  }
0x67: {  	_ =	shalt  }
0x68: {  	_ =	shalt  }
0x69: {  	_ =	shalt  }
0x6a: {  	_ =	shalt  }
0x6b: {  	_ =	shalt  }
0x6c: {  	_ =	shalt  }
0x6d: {  	_ =	shalt  }
0x6e: {  	_ =	shalt  }
0x6f: {  	_ =	shalt  }
0x70: {  	_ =	shalt  }
0x71: {  	_ =	shalt  }
0x72: {  	_ =	shalt  }
0x73: {  	_ =	shalt  }
0x74: {  	_ =	shalt  }
0x75: {  	_ =	shalt  }
0x76: {  	_ =	shalt  }
0x77: {  	_ =	shalt  }
0x78: {  	_ =	shalt  }
0x79: {  	_ =	shalt  }
0x7a: {  	_ =	shalt  }
0x7b: {  	_ =	shalt  }
0x7c: {  	_ =	shalt  }
0x7d: {  	_ =	shalt  }
0x7e: {  	_ =	shalt  }
0x7f: {  	_ =	shalt  }
0x80: {  	_ =	shalt  }
0x81: {  	_ =	shalt  }
0x82: {  	_ =	shalt  }
0x83: {  	_ =	shalt  }
0x84: {  	_ =	shalt  }
0x85: {  	_ =	shalt  }
0x86: {  	_ =	shalt  }
0x87: {  	_ =	shalt  }
.Lfunc_end0:
.L_simem_size_0:
called_computation_lowered:
.L_overlay_start_0:
0x88: {  	s2 =	sld [smem:$0x3FD9]  }
0x89: {  	s3 =	sld [smem:$0x3FFE];
	_ =	sdelay $0x1  }
0x8a: {  	s1 =	srdreg.scid  }
0x8b: {  	s0 =	sand.u32 $0x1, s1  }
0x8c: {  	s17 =	sshll.u32 s0, $0xA;
	s2 =	sadd.s32 s3, s2  }
0x8d: {  	s2 =	sadd.s32 s2, s17  }
0x8e: {  	[smem:$0x3FC2] =	sst s2  }
0x8f: {  	_ = 	snop  }
0x90: {  	s2 =	sld [smem:$0x3FD0];
	(tm) =	ssettm $0x1  }
0x91: {  	s18 =	sld [smem:$0x3FFB];
	_ =	sdelay $0x3  }
0x92: {  	_ =	strace s18  }
0x93: {  	s3 =	sld [smem:$0x3FFC];
	_ =	sdelay $0x3  }
0x94: {  	_ =	strace s3  }
0x95: {  	s3 =	sld [smem:$0x3FFD];
	_ =	sdelay $0x3  }
0x96: {  	_ =	strace s3  }
0x97: {  	_ =	strace $0x8FFFFFFF  }
0x98: {  	s19 =	sld [smem:$0x3FDB];
	_ =	sdelay $0x1  }
0x99: {  	s4 =	simm.s32 $_scs_section_size  }
0x9a: {  	s5 =	simm.s32 $_size__tile_overlayer_lowered;
	s6 =	simm.s32 $_tile_overlayer_lowered  }
0x9b: {  	s22 =	simm.s32 $0x1BFF;
	s21 =	sshll.u32 s6, $0x1;
	s3 =	sadd.s32 s4, s19  }
0x9c: {  	s7 =	simm.s32 $0x0;
	s20 =	sshll.u32 s5, $0x1;
	s5 =	sadd.s32 s21, s3  }
0x9d: {  	[timem:s7], [sflag:s22] =	dma.local [hbm:s5], s20  }
0x9e: {  	_ =	swait.ge [sflag:s22], s20  }
0x9f: {  	s4 =	ssub.s32 $0x0, s20;
	[sflag:s22] =	ssyncset.done $0x0  }
0xa0: {  	[sflag:s22] =	ssyncadd.s32 s4;
	_ =	sdelay $0x1  }
0xa1: {  	s23 =	simm.s32 $0x1B8B  }
0xa2: {  	_ =	swait.ge [sflag:s23], $0x1  }
0xa3: {  	[sflag:s23] =	ssyncset.done $0x0  }
0xa4: {  	s25 =	simm.s32 $0x1B8E;
	s24 =	sld [smem:$0x3FFE];
	[sflag:s23] =	ssyncadd.s32 $0xFFFFFFFF  }
0xa5: {  	s26 =	simm.s32 $execute0_lowered;
	[smem:$0x3FD2] =	sst s25  }
0xa6: {  	s5 =	sshll.u32 s26, $0x1;
	_ =	strace $0x80000046;
	[dreg:$0x1] =	wrdreg $0xFFFFFFFF  }
0xa7: {  	s28 =	simm.s32 $_size_execute0_lowered;
	s3 =	sadd.s32 s3, s5;
	[dreg:$0x0] =	wrdreg $0x0  }
0xa8: {  	s5 =	sshll.u32 s28, $0x1;
	[dreg:$0x2] =	wrdreg s3  }
0xa9: {  	[dreg:$0x3] =	wrdreg s5  }
0xaa: {  	[dreg:$0x4] =	wrdreg $0xC0  }
0xab: {  	_ =	task [dreg:s7], $0x5FFFF  }
0xac: {  	[dreg:$0x1] =	wrdreg $0xFFFFFFFF  }
0xad: {  	[dreg:$0x0] =	wrdreg $0x60  }
0xae: {  	[dreg:$0x2] =	wrdreg s2  }
0xaf: {  	[dreg:$0x3] =	wrdreg s24  }
0xb0: {  	[dreg:$0x4] =	wrdreg $0x19C800  }
0xb1: {  	[dreg:$0x5] =	wrdreg $0x9  }
0xb2: {  	_ =	task.clear_ibuf [dreg:s7], $0x6FFFF;
	_ =	strace $0x90000046  }
0xb3: {  	s29 =	simm.s32 $0x9;
	_ =	strace $0x80000048  }
0xb4: {  	_ =	swait.ge [sflag:s29], $0x1  }
0xb5: {  	[sflag:s29] =	ssyncadd.s32 $0xFFFFFFFF  }
0xb6: {  	_ =	strace $0x90000048  }
0xb7: {  	_ =	sfence  }
0xb8: {  	s30 =	sld [smem:$0x0];
	_ =	sdelay $0x2  }
0xb9: {  	s31 =	sshll.u32 s1, $0xD;
	s1 =	sshrl.u32 s1, $0x2  }
0xba: {  	s3 =	sand.u32 $0x4000, s31;
	s1 =	sadd.s32 s1, s30  }
0xbb: {  	s0 =	sor.u32 s3, s0;
	s1 =	sshll.u32 s1, $0x11  }
0xbc: {  	s0 =	sor.u32 s1, s0  }
0xbd: {  	s0 =	sadd.s32 $0x8F2B, s0  }
0xbe: {  	[sflag:s0] =	ssyncadd.remote.s32 $0x1  }
0xbf: {  	_ =	sfence.sel $0xFFFF  }
0xc0: {  	[dreg:$0x0] =	wrdreg $0xFFFFFFFF;
	(pc) =	sbr.abs _section_cstart, $3  }
0xc1: {  	[dreg:$0x1] =	wrdreg $0xFFFFFFFF  }
0xc2: {  	_ =	task.clear_ibuf [dreg:s7], $0x2FFFF;
	_ =	strace $0x9FFFFFFF  }
0xc3: {  	(tm) =	ssettm $0x7FFFFFFF  }
tec
execute0_lowered:
.L_overlay_start_1:
0x0: {  	(tag) =	ssettag $0x1  }
0x1: {  	s1 =	rddreg [dreg:$0x0]  }
0x2: {  	s4 =	rddreg [dreg:$0x1]  }
0x3: {  	s3 =	rddreg [dreg:$0x2];
	s2 =	simm.s32 $0x0  }
0x4: {  	s9 =	stileid.u32;
	s23 =	simm.s32 $0x1C80;
	[smem:$0x7FF] =	sst s2  }
0x5: {  	s24 =	simm.s32 $0x100;
	_ =	strace $0x80000047;
	[dreg:$0x9] =	wrdreg s23  }
0x6: {  	s25 =	simm.s32 $0x2C80;
	s26 =	simm.s32 $0x180;
	[dreg:$0xa] =	wrdreg s24  }
0x7: {  	s5 =	sshll.u32 s9, $0x1;
	s6 =	smul.u32 $0x4F00, s9;
	[dreg:$0xb] =	wrdreg s25  }
0x8: {  	s17 =	sshll.u32 s9, $0x6;
	s9 =	simm.s32 $0x300;
	[dreg:$0xc] =	wrdreg s26  }
0x9: {  	s10 =	simm.s32 $0x6C80;
	[dreg:$0x12] =	wrdreg s9  }
0xa: {  	s11 =	simm.s32 $0x380;
	[dreg:$0x13] =	wrdreg s10  }
0xb: {  	s12 =	simm.s32 $0x7C80;
	[dreg:$0x14] =	wrdreg s11  }
0xc: {  	s13 =	simm.s32 $0x400;
	[dreg:$0x15] =	wrdreg s12  }
0xd: {  	s14 =	simm.s32 $0x8C80;
	[dreg:$0x16] =	wrdreg s13  }
0xe: {  	s15 =	simm.s32 $0x480;
	[dreg:$0x17] =	wrdreg s14  }
0xf: {  	s16 =	simm.s32 $0x9C80;
	[dreg:$0x18] =	wrdreg s15  }
0x10: {  	s18 =	sor.u32 $0x1C02, s17;
	[dreg:$0x19] =	wrdreg s16  }
0x11: {  	s17 =	simm.s32 $0x500;
	[dreg:$0x5] =	wrdreg s18  }
0x12: {  	s24 =	simm.s32 $0xCC80;
	[dreg:$0x1a] =	wrdreg s17  }
0x13: {  	s26 =	simm.s32 $0x680;
	s8 =	sshrl.u32 s6, $0x3;
	[dreg:$0x1f] =	wrdreg s24  }
0x14: {  	s20 =	sadd.s32 s6, s3;
	s6 =	simm.s32 $0x4C80;
	[smem:$0x7FD] =	sst s26  }
0x15: {  	s0 =	srdreg.scid;
	s18 =	simm.s32 $0xAC80;
	[dreg:$0xf] =	wrdreg s6  }
0x16: {  	s0 =	sand.u32 $0x1, s0;
	s1 =	sadd.s32 s1, s8;
	[dreg:$0x1b] =	wrdreg s18  }
0x17: {  	s5 =	sor.u32 s0, s5;
	s22 =	sshrl.u32 s20, $0x3;
	[dreg:$0x4] =	wrdreg s1  }
0x18: {  	s7 =	smul.u32 $0x190, s5;
	s8 =	simm.s32 $0x5C80;
	[dreg:$0x8] =	wrdreg s22  }
0x19: {  	s5 =	smul.u32 $0x3200, s5;
	s20 =	simm.s32 $0xBC80;
	[dreg:$0x11] =	wrdreg s8  }
0x1a: {  	s7 =	sadd.s32 s7, s4;
	[dreg:$0x1d] =	wrdreg s20  }
0x1b: {  	s4 =	sadd.s32 s5, s4;
	s5 =	simm.s32 $0x200;
	s22 =	rddreg [dreg:$0x5]  }
0x1c: {  	[dreg:$0xe] =	wrdreg s5  }
0x1d: {  	s23 =	rddreg [dreg:$0x8]  }
0x1e: {  	s19 =	sadd.s32 $0x1200, s7;
	s25 =	rddreg [dreg:$0x4]  }
0x1f: {  	s21 =	sadd.s32 $0x4400, s4;
	[dreg:$0x6] =	wrdreg s19  }
0x20: {  	s4 =	simm.s32 $0x3C80;
	[dreg:$0x7] =	wrdreg s21  }
0x21: {  	s7 =	simm.s32 $0x280;
	[dreg:$0xd] =	wrdreg s4  }
0x22: {  	[dreg:$0x10] =	wrdreg s7;
	s19 =	simm.s32 $0x580  }
0x23: {  	s21 =	simm.s32 $0x600;
	[dreg:$0x1c] =	wrdreg s19  }
0x24: {  	s4 =	simm.s32 $0x2;
	[dreg:$0x1e] =	wrdreg s21  }
0x25: {  	[spmem:s23], [sflag:s22] =	dma.local [hbm:s25], $0x9E0  }
0x26: {  	_ =	swait.ge [sflag:s4], $0x9E0  }
0x27: {  	[sflag:s4] =	ssyncset.done $0x0  }
0x28: {  	s6 =	rddreg [dreg:$0x6];
	[sflag:s4] =	ssyncadd.s32 $0xFFFFF620  }
0x29: {  	[tilespmem:s2], [sflag:$0x2] =	stream.linear.gather [hbm4b:s6+s2], $0xC80, $0x38;
	[tilespmem:$0x1EB80] =	vst v63  }
0x2a: {  	_ =	swait.ge [sflag:s4], $0xC80  }
0x2b: {  	[sflag:s4] =	ssyncset.done $0x0  }
0x2c: {  	[sflag:s4] =	ssyncadd.s32 $0xFFFFF380  }
0x2d: {  	[bflag:$0x0] =	sbarrier.arrive $0xFFFF  }
0x2e: {  	s7 =	rddreg [dreg:$0x9]  }
0x2f: {  	s8 =	rddreg [dreg:$0xb]  }
0x30: {  	s9 =	rddreg [dreg:$0xa]  }
0x31: {  	s15 =	rddreg [dreg:$0xd]  }
0x32: {  	s21 =	rddreg [dreg:$0x1b]  }
0x33: {  	s10 =	rddreg [dreg:$0xe]  }
0x34: {  	s18 =	rddreg [dreg:$0x19]  }
0x35: {  	s16 =	rddreg [dreg:$0x17]  }
0x36: {  	s11 =	rddreg [dreg:$0xf]  }
0x37: {  	s5 =	simm.s32 $0xC80;
	s6 =	simm.s32 $0x80;
	s12 =	rddreg [dreg:$0x12]  }
0x38: {  	[tilespmem:s5], [sflag:$0x1] =	stream.indirect.gather [spmem:s3], $0x20, s2, s6, $0xb8;
	[tilespmem:$0x1EB80] =	vst v63  }
0x39: {  	s14 =	rddreg [dreg:$0x15]  }
0x3a: {  	s13 =	rddreg [dreg:$0xc]  }
0x3b: {  	s19 =	rddreg [dreg:$0x11]  }
0x3c: {  	s20 =	rddreg [dreg:$0x10]  }
0x3d: {  	s22 =	rddreg [dreg:$0x13]  }
0x3e: {  	[tilespmem:s7], [sflag:$0x1] =	stream.indirect.gather [spmem:s3], $0x20, s6, s6, $0xb8;
	[tilespmem:$0x1EB80] =	vst v63  }
0x3f: {  	s23 =	rddreg [dreg:$0x14]  }
0x40: {  	[tilespmem:s8], [sflag:$0x1] =	stream.indirect.gather [spmem:s3], $0x20, s9, s6, $0xb8;
	[tilespmem:$0x1EB80] =	vst v63  }
0x41: {  	s0 =	ssub.s32 $0x2, s0;
	s24 =	rddreg [dreg:$0x16]  }
0x42: {  	[tilespmem:s15], [sflag:$0x1] =	stream.indirect.gather [spmem:s3], $0x20, s13, s6, $0xb8;
	[tilespmem:$0x1EB80] =	vst v63  }
0x43: {  	s29 =	simm.s32 $0x17C80;
	s17 =	sshrl.u32 s0, $0x1;
	s25 =	rddreg [dreg:$0x18]  }
0x44: {  	[tilespmem:s11], [sflag:$0x1] =	stream.indirect.gather [spmem:s3], $0x20, s10, s6, $0xb8;
	[tilespmem:$0x1EB80] =	vst v63  }
0x45: {  	s30 =	simm.s32 $0xC00;
	s0 =	ssub.s32 s0, s17;
	s26 =	rddreg [dreg:$0x1a]  }
0x46: {  	[tilespmem:s19], [sflag:$0x1] =	stream.indirect.gather [spmem:s3], $0x20, s20, s6, $0xb8;
	[tilespmem:$0x1EB80] =	vst v63  }
0x47: {  	s31 =	simm.s32 $0x18C80;
	s0 =	smax.u32 s0, $0x1;
	s1 =	rddreg [dreg:$0x1d]  }
0x48: {  	[tilespmem:s22], [sflag:$0x1] =	stream.indirect.gather [spmem:s3], $0x20, s12, s6, $0xb8;
	[tilespmem:$0x1EB80] =	vst v63  }
0x49: {  	s28 =	simm.s32 $0x1;
	p0 =	sne.s32 s0, $0x1;
	s7 =	rddreg [dreg:$0x1c]  }
0x4a: {  	[tilespmem:s14], [sflag:$0x1] =	stream.indirect.gather [spmem:s3], $0x20, s23, s6, $0xb8;
	[tilespmem:$0x1EB80] =	vst v63  }
0x4b: {  	s0 =	sadd.s32 $0xFFFFFFFF, s0;
	s8 =	rddreg [dreg:$0x1e];
	s19 =	simm.s32 $0x13C80  }
0x4c: {  	[tilespmem:s16], [sflag:$0x1] =	stream.indirect.gather [spmem:s3], $0x20, s24, s6, $0xb8;
	[tilespmem:$0x1EB80] =	vst v63  }
.Ltmp0:
0x4d: {  	s20 =	simm.s32 $0xA00;
	s22 =	simm.s32 $0xA80;
	(pc) =	sbr.rel @!p0 .LBB2_2-.Ltmp0, $4  }
0x4e: {  	[tilespmem:s18], [sflag:$0x1] =	stream.indirect.gather [spmem:s3], $0x20, s25, s6, $0xb8;
	[tilespmem:$0x1EB80] =	vst v63  }
0x4f: {  	s23 =	simm.s32 $0x15C80;
	s24 =	simm.s32 $0xB00;
	s18 =	simm.s32 $0x980  }
0x50: {  	[tilespmem:s21], [sflag:$0x1] =	stream.indirect.gather [spmem:s3], $0x20, s26, s6, $0xb8;
	[tilespmem:$0x1EB80] =	vst v63  }
0x51: {  	s25 =	simm.s32 $0x16C80;
	s21 =	simm.s32 $0x14C80;
	s26 =	simm.s32 $0xB80  }
.LBB2_1:
0x52: {  	s9 =	rddreg [dreg:$0x1f]  }
0x53: {  	[tilespmem:s1], [sflag:$0x1] =	stream.indirect.gather [spmem:s3], $0x20, s7, s6, $0xb8;
	[tilespmem:$0x1EB80] =	vst v63  }
0x54: {  	s12 =	sld [smem:$0x7FD]  }
0x55: {  	[tilespmem:s9], [sflag:$0x1] =	stream.indirect.gather [spmem:s3], $0x20, s8, s6, $0xb8;
	[tilespmem:$0x1EB80] =	vst v63  }
0x56: {  	s13 =	simm.s32 $0xDC80  }
0x57: {  	[tilespmem:s13], [sflag:$0x1] =	stream.indirect.gather [spmem:s3], $0x20, s12, s6, $0xb8;
	[tilespmem:$0x1EB80] =	vst v63  }
0x58: {  	s14 =	simm.s32 $0x700;
	s15 =	simm.s32 $0xEC80  }
0x59: {  	[tilespmem:s15], [sflag:$0x1] =	stream.indirect.gather [spmem:s3], $0x20, s14, s6, $0xb8;
	[tilespmem:$0x1EB80] =	vst v63  }
0x5a: {  	s16 =	simm.s32 $0x780;
	s17 =	simm.s32 $0xFC80  }
0x5b: {  	[tilespmem:s17], [sflag:$0x1] =	stream.indirect.gather [spmem:s3], $0x20, s16, s6, $0xb8;
	[tilespmem:$0x1EB80] =	vst v63  }
0x5c: {  	s8 =	simm.s32 $0x800;
	s9 =	simm.s32 $0x10C80  }
0x5d: {  	[tilespmem:s9], [sflag:$0x1] =	stream.indirect.gather [spmem:s3], $0x20, s8, s6, $0xb8;
	[tilespmem:$0x1EB80] =	vst v63  }
0x5e: {  	s10 =	simm.s32 $0x880;
	s11 =	simm.s32 $0x11C80  }
0x5f: {  	[tilespmem:s11], [sflag:$0x1] =	stream.indirect.gather [spmem:s3], $0x20, s10, s6, $0xb8;
	[tilespmem:$0x1EB80] =	vst v63  }
0x60: {  	s12 =	simm.s32 $0x900;
	s13 =	simm.s32 $0x12C80  }
0x61: {  	[tilespmem:s13], [sflag:$0x1] =	stream.indirect.gather [spmem:s3], $0x20, s12, s6, $0xb8;
	[tilespmem:$0x1EB80] =	vst v63  }
0x62: {  	_ = 	snop  }
0x63: {  	[tilespmem:s19], [sflag:$0x1] =	stream.indirect.gather [spmem:s3], $0x20, s18, s6, $0xb8;
	[tilespmem:$0x1EB80] =	vst v63  }
0x64: {  	_ = 	snop  }
0x65: {  	[tilespmem:s21], [sflag:$0x1] =	stream.indirect.gather [spmem:s3], $0x20, s20, s6, $0xb8;
	[tilespmem:$0x1EB80] =	vst v63  }
0x66: {  	_ = 	snop  }
0x67: {  	[tilespmem:s23], [sflag:$0x1] =	stream.indirect.gather [spmem:s3], $0x20, s22, s6, $0xb8;
	[tilespmem:$0x1EB80] =	vst v63  }
0x68: {  	_ = 	snop  }
0x69: {  	[tilespmem:s25], [sflag:$0x1] =	stream.indirect.gather [spmem:s3], $0x20, s24, s6, $0xb8;
	[tilespmem:$0x1EB80] =	vst v63  }
0x6a: {  	_ = 	snop  }
0x6b: {  	[tilespmem:s29], [sflag:$0x1] =	stream.indirect.gather [spmem:s3], $0x20, s26, s6, $0xb8;
	[tilespmem:$0x1EB80] =	vst v63  }
0x6c: {  	_ = 	snop  }
0x6d: {  	[tilespmem:s31], [sflag:$0x1] =	stream.indirect.gather [spmem:s3], $0x20, s30, s6, $0xb8;
	[tilespmem:$0x1EB80] =	vst v63  }
0x6e: {  	_ =	swait.ge [sflag:s28], $0x19000  }
0x6f: {  	[sflag:s28] =	ssyncset.done $0x0  }
0x70: {  	s14 =	rddreg [dreg:$0x7];
	[sflag:s28] =	ssyncadd.s32 $0xFFFE7000  }
0x71: {  	[hbm4b:s14+s2] =	stream.linear.scatter [tilespmem:s5], [sflag:$0x2], $0x19000, $0x38;
	[tilespmem:$0x1EB80] =	vst v63  }
0x72: {  	_ =	swait.ge [sflag:s4], $0x19000  }
0x73: {  	s15 =	rddreg [dreg:$0x5]  }
0x74: {  	[sflag:s4] =	ssyncset.done $0x0;
	s16 =	rddreg [dreg:$0x8]  }
0x75: {  	s17 =	rddreg [dreg:$0x4];
	[sflag:s4] =	ssyncadd.s32 $0xFFFE7000  }
0x76: {  	[spmem:s16], [sflag:s15] =	dma.local [hbm:s17], $0x9E0  }
0x77: {  	_ =	swait.ge [sflag:s4], $0x9E0  }
0x78: {  	[sflag:s4] =	ssyncset.done $0x0  }
0x79: {  	s8 =	rddreg [dreg:$0x6];
	[sflag:s4] =	ssyncadd.s32 $0xFFFFF620  }
0x7a: {  	[tilespmem:s2], [sflag:$0x2] =	stream.linear.gather [hbm4b:s8+s2], $0xC80, $0x38;
	[tilespmem:$0x1EB80] =	vst v63  }
0x7b: {  	_ =	swait.ge [sflag:s4], $0xC80  }
0x7c: {  	[sflag:s4] =	ssyncset.done $0x0  }
0x7d: {  	[sflag:s4] =	ssyncadd.s32 $0xFFFFF380  }
0x7e: {  	[bflag:$0x0] =	sbarrier.arrive $0xFFFF  }
0x7f: {  	s7 =	rddreg [dreg:$0x9]  }
0x80: {  	s8 =	rddreg [dreg:$0xb]  }
0x81: {  	s9 =	rddreg [dreg:$0xa]  }
0x82: {  	s1 =	rddreg [dreg:$0x1d]  }
0x83: {  	s10 =	rddreg [dreg:$0xd]  }
0x84: {  	s11 =	rddreg [dreg:$0x1b]  }
0x85: {  	s12 =	rddreg [dreg:$0xe]  }
0x86: {  	s13 =	rddreg [dreg:$0x19]  }
0x87: {  	s14 =	rddreg [dreg:$0x17]  }
0x88: {  	s15 =	rddreg [dreg:$0xf]  }
0x89: {  	s16 =	rddreg [dreg:$0x12]  }
0x8a: {  	[tilespmem:s5], [sflag:$0x1] =	stream.indirect.gather [spmem:s3], $0x20, s2, s6, $0xb8;
	[tilespmem:$0x1EB80] =	vst v63  }
0x8b: {  	s17 =	rddreg [dreg:$0x15]  }
0x8c: {  	[tilespmem:s7], [sflag:$0x1] =	stream.indirect.gather [spmem:s3], $0x20, s6, s6, $0xb8;
	[tilespmem:$0x1EB80] =	vst v63  }
0x8d: {  	s7 =	rddreg [dreg:$0xc]  }
0x8e: {  	[tilespmem:s8], [sflag:$0x1] =	stream.indirect.gather [spmem:s3], $0x20, s9, s6, $0xb8;
	[tilespmem:$0x1EB80] =	vst v63  }
0x8f: {  	s8 =	rddreg [dreg:$0x11]  }
0x90: {  	[tilespmem:s10], [sflag:$0x1] =	stream.indirect.gather [spmem:s3], $0x20, s7, s6, $0xb8;
	[tilespmem:$0x1EB80] =	vst v63  }
0x91: {  	s9 =	rddreg [dreg:$0x10]  }
0x92: {  	[tilespmem:s15], [sflag:$0x1] =	stream.indirect.gather [spmem:s3], $0x20, s12, s6, $0xb8;
	[tilespmem:$0x1EB80] =	vst v63  }
0x93: {  	s10 =	rddreg [dreg:$0x13]  }
0x94: {  	[tilespmem:s8], [sflag:$0x1] =	stream.indirect.gather [spmem:s3], $0x20, s9, s6, $0xb8;
	[tilespmem:$0x1EB80] =	vst v63  }
0x95: {  	s7 =	rddreg [dreg:$0x1c]  }
0x96: {  	[tilespmem:s10], [sflag:$0x1] =	stream.indirect.gather [spmem:s3], $0x20, s16, s6, $0xb8;
	[tilespmem:$0x1EB80] =	vst v63  }
0x97: {  	s12 =	rddreg [dreg:$0x14]  }
0x98: {  	[tilespmem:s17], [sflag:$0x1] =	stream.indirect.gather [spmem:s3], $0x20, s12, s6, $0xb8;
	[tilespmem:$0x1EB80] =	vst v63  }
0x99: {  	p0 =	sne.s32 s0, $0x1;
	s15 =	rddreg [dreg:$0x16]  }
0x9a: {  	[tilespmem:s14], [sflag:$0x1] =	stream.indirect.gather [spmem:s3], $0x20, s15, s6, $0xb8;
	[tilespmem:$0x1EB80] =	vst v63  }
.Ltmp1:
0x9b: {  	s8 =	rddreg [dreg:$0x1e];
	(pc) =	sbr.rel @p0 .LBB2_1-.Ltmp1, $4  }
0x9c: {  	s16 =	rddreg [dreg:$0x18]  }
0x9d: {  	[tilespmem:s13], [sflag:$0x1] =	stream.indirect.gather [spmem:s3], $0x20, s16, s6, $0xb8;
	[tilespmem:$0x1EB80] =	vst v63  }
0x9e: {  	s0 =	sadd.s32 $0xFFFFFFFF, s0;
	s17 =	rddreg [dreg:$0x1a]  }
0x9f: {  	[tilespmem:s11], [sflag:$0x1] =	stream.indirect.gather [spmem:s3], $0x20, s17, s6, $0xb8;
	[tilespmem:$0x1EB80] =	vst v63  }
.LBB2_2:
0xa0: {  	s0 =	rddreg [dreg:$0x1f]  }
0xa1: {  	[tilespmem:s1], [sflag:$0x1] =	stream.indirect.gather [spmem:s3], $0x20, s7, s6, $0xb8;
	[tilespmem:$0x1EB80] =	vst v63  }
0xa2: {  	s17 =	sld [smem:$0x7FD]  }
0xa3: {  	[tilespmem:s0], [sflag:$0x1] =	stream.indirect.gather [spmem:s3], $0x20, s8, s6, $0xb8;
	[tilespmem:$0x1EB80] =	vst v63  }
0xa4: {  	s7 =	simm.s32 $0xDC80  }
0xa5: {  	[tilespmem:s7], [sflag:$0x1] =	stream.indirect.gather [spmem:s3], $0x20, s17, s6, $0xb8;
	[tilespmem:$0x1EB80] =	vst v63  }
0xa6: {  	s9 =	simm.s32 $0xEC80;
	s8 =	simm.s32 $0x700  }
0xa7: {  	[tilespmem:s9], [sflag:$0x1] =	stream.indirect.gather [spmem:s3], $0x20, s8, s6, $0xb8;
	[tilespmem:$0x1EB80] =	vst v63  }
0xa8: {  	s10 =	simm.s32 $0x780;
	s11 =	simm.s32 $0xFC80  }
0xa9: {  	[tilespmem:s11], [sflag:$0x1] =	stream.indirect.gather [spmem:s3], $0x20, s10, s6, $0xb8;
	[tilespmem:$0x1EB80] =	vst v63  }
0xaa: {  	s12 =	simm.s32 $0x800;
	s13 =	simm.s32 $0x10C80  }
0xab: {  	[tilespmem:s13], [sflag:$0x1] =	stream.indirect.gather [spmem:s3], $0x20, s12, s6, $0xb8;
	[tilespmem:$0x1EB80] =	vst v63  }
0xac: {  	s14 =	simm.s32 $0x880;
	s15 =	simm.s32 $0x11C80  }
0xad: {  	[tilespmem:s15], [sflag:$0x1] =	stream.indirect.gather [spmem:s3], $0x20, s14, s6, $0xb8;
	[tilespmem:$0x1EB80] =	vst v63  }
0xae: {  	s16 =	simm.s32 $0x900;
	s17 =	simm.s32 $0x12C80  }
0xaf: {  	[tilespmem:s17], [sflag:$0x1] =	stream.indirect.gather [spmem:s3], $0x20, s16, s6, $0xb8;
	[tilespmem:$0x1EB80] =	vst v63  }
0xb0: {  	_ = 	snop  }
0xb1: {  	[tilespmem:s19], [sflag:$0x1] =	stream.indirect.gather [spmem:s3], $0x20, s18, s6, $0xb8;
	[tilespmem:$0x1EB80] =	vst v63  }
0xb2: {  	_ = 	snop  }
0xb3: {  	[tilespmem:s21], [sflag:$0x1] =	stream.indirect.gather [spmem:s3], $0x20, s20, s6, $0xb8;
	[tilespmem:$0x1EB80] =	vst v63  }
0xb4: {  	_ = 	snop  }
0xb5: {  	[tilespmem:s23], [sflag:$0x1] =	stream.indirect.gather [spmem:s3], $0x20, s22, s6, $0xb8;
	[tilespmem:$0x1EB80] =	vst v63  }
0xb6: {  	_ = 	snop  }
0xb7: {  	[tilespmem:s25], [sflag:$0x1] =	stream.indirect.gather [spmem:s3], $0x20, s24, s6, $0xb8;
	[tilespmem:$0x1EB80] =	vst v63  }
0xb8: {  	_ = 	snop  }
0xb9: {  	[tilespmem:s29], [sflag:$0x1] =	stream.indirect.gather [spmem:s3], $0x20, s26, s6, $0xb8;
	[tilespmem:$0x1EB80] =	vst v63  }
0xba: {  	_ = 	snop  }
0xbb: {  	[tilespmem:s31], [sflag:$0x1] =	stream.indirect.gather [spmem:s3], $0x20, s30, s6, $0xb8;
	[tilespmem:$0x1EB80] =	vst v63  }
0xbc: {  	_ =	swait.ge [sflag:s28], $0x19000  }
0xbd: {  	[sflag:s28] =	ssyncset.done $0x0  }
0xbe: {  	s30 =	rddreg [dreg:$0x7];
	[sflag:s28] =	ssyncadd.s32 $0xFFFE7000  }
0xbf: {  	[hbm4b:s30+s2] =	stream.linear.scatter [tilespmem:s5], [sflag:$0x2], $0x19000, $0x38;
	[tilespmem:$0x1EB80] =	vst v63  }
0xc0: {  	_ =	swait.ge [sflag:s4], $0x19000  }
0xc1: {  	[sflag:s4] =	ssyncset.done $0x0  }
0xc2: {  	[sflag:s4] =	ssyncadd.s32 $0xFFFE7000  }
0xc3: {  	_ =	sfence.sel $0x180000  }
0xc4: {  	[bflag:$0x0] =	sbarrier.arrive $0xFFFF  }
0xc5: {  	_ =	strace $0x90000047  }
0xc6: {  	s31 =	stileid.u32;
	[bflag:$0x2] =	sbarrier.arrive $0xFFFF  }
0xc7: {  	p0 =	sne.s32 s31, $0x0;
	s0 =	rddreg [dreg:$0x3]  }
0xc8: {  	s0 =	sadd.s32 @!p0 $0x100000, s0  }
0xc9: {  	[sflag:s0] =	ssyncadd.tile.s32 @!p0 $0x1;
	_ =	shalt  }
.Lfunc_end2:
_tile_overlayer_lowered:
.L_overlay_start_2:
0xca: {  	(tag) =	ssettag $0x2  }
0xcb: {  	s0 =	rddreg [dreg:$0x0];
	s2 =	stileid.u32  }
0xcc: {  	s1 =	rddreg [dreg:$0x1];
	p0 =	sne.s32 s2, $0x0  }
0xcd: {  	s3 =	rddreg [dreg:$0x2];
	[bflag:$0x3] =	sbarrier.arrive $0xFFFF;
	s2 =	simm.s32 @!p0 $0x1C02  }
0xce: {  	[timem:s3], [sflag:s2] =	dma.local @!p0 [hbm:s0], s1  }
0xcf: {  	s0 =	simm.s32 @!p0 $0x2  }
0xd0: {  	_ =	swait.ge @!p0 [sflag:s0], s1  }
0xd1: {  	s1 =	ssub.s32 @!p0 $0x0, s1;
	[sflag:s0] =	ssyncset.done @!p0 $0x0  }
0xd2: {  	[sflag:s0] =	ssyncadd.s32 @!p0 s1  }
0xd3: {  	[bflag:$0x3] =	sbarrier.arrive $0xFFFF  }
0xd4: {  	_ =	shalt  }

// kernel: kernel.8.cloned.1.call-start
scs
__scs_entry_jumppad:
0x0: {  	(pc) =	sbr.rel $0x88, $3  }
0x1: {  	(tag) =	ssettag $0x0;
	lr =	simm.s32 $0x1  }
0x2: {  	[smem:$0x3F9B] =	sst lr;
	_ =	strace $0xD0000000  }
0x3: {  	_ = 	snop  }
0x4: {  	_ = 	snop  }
0x5: {  	_ = 	snop  }
0x6: {  	_ = 	snop  }
0x7: {  	_ = 	snop  }
__scs_overlays_trampoline_lowered:
0x8: {  	[smem:$0x3FAA] =	sst s0  }
0x9: {  	[smem:$0x3FAB] =	sst s1  }
0xa: {  	[smem:$0x3FAC] =	sst s2  }
0xb: {  	[smem:$0x3FAD] =	sst s3  }
0xc: {  	[smem:$0x3FAE] =	sst s4  }
0xd: {  	[smem:$0x3FAF] =	sst s5  }
0xe: {  	[smem:$0x3FB0] =	sst s6  }
0xf: {  	[smem:$0x3FB1] =	sst s7  }
0x10: {  	[smem:$0x3FB2] =	sst s8  }
0x11: {  	[smem:$0x3FB3] =	sst s9;
	s0 =	simm.s32 @!p0 $0x0  }
0x12: {  	s1 =	sld [smem:$0x3F99];
	s0 =	simm.s32 @p0 $0x1  }
0x13: {  	[smem:$0x3FB4] =	sst s0;
	s0 =	simm.s32 @!p1 $0x0  }
0x14: {  	s2 =	sld [smem:$0x3F98];
	s0 =	simm.s32 @p1 $0x1  }
0x15: {  	[smem:$0x3FB5] =	sst s0;
	s0 =	simm.s32 @!p2 $0x0  }
0x16: {  	s3 =	sld [smem:$0x3FDB];
	s0 =	simm.s32 @p2 $0x1  }
0x17: {  	s4 =	simm.s32 $0x1BF5;
	[smem:$0x3FB7] =	sst s0  }
0x18: {  	s0 =	sld [smem:$0x3F9A];
	_ =	swait.ge [sflag:s4], $0x0  }
0x19: {  	s7 =	sld [smem:$0x3F9B]  }
0x1a: {  	s8 =	sadd.s32 $0xFFFFE003, lr  }
0x1b: {  	s9 =	sadd.s32 $0xFFFFFEF7, lr;
	s5 =	simm.s32 $0xFFFFFFFF;
	p2 =	slt.u32 s8, $0xFFFFF086  }
0x1c: {  	p1 =	slt.u32 s9, $0xF7A;
	s5 =	simm.s32 @!p2 $0x0  }
0x1d: {  	s5 =	simm.s32 @p1 $0x1;
	p0 =	seq.s32 s7, s2  }
0x1e: {  	s7 =	smul.u32 @!p0 $0xF7A, s2;
	p2 =	seq.s32 @!p0 s5, $0x0  }
0x1f: {  	s9 =	smul.u32 $0xF7A, s1;
	s8 =	simm.s32 @!p0 $0x1BF5;
	p2 =	por !p2, p0  }
0x20: {  	[sflag:s8] =	ssyncset.s32 @!p0 $0xFFFFF086;
	s6 =	sadd.s32 @!p0 s3, s7;
	s7 =	simm.s32 @!p0 $0x108  }
0x21: {  	s3 =	sadd.s32 s3, s9;
	s6 =	sadd.s32 @!p0 $0x88, s6;
	s7 =	simm.s32 @p2 $0x1082  }
0x22: {  	[simem:s7], [sflag:s8] =	dma.local @!p0 [hbm:s6], $0xF7A  }
0x23: {  	s9 =	sor.u32 $0xD0000000, s2;
	s6 =	simm.s32 $0x108;
	_ =	swait.ge @!p0 [sflag:s8], $0x0  }
0x24: {  	s3 =	sadd.s32 $0x88, s3;
	s6 =	simm.s32 @!p1 $0x1082;
	[sflag:s4] =	ssyncset.s32 $0xFFFFF086  }
0x25: {  	[simem:s6], [sflag:s4] =	dma.local [hbm:s3], $0xF7A  }
0x26: {  	[smem:$0x3F9B] =	sst s1;
	(tag) =	ssettag s2;
	_ =	strace s9  }
0x27: {  	s1 =	sld [smem:$0x3FAB]  }
0x28: {  	s2 =	sld [smem:$0x3FAC]  }
0x29: {  	s4 =	sld [smem:$0x3FAE]  }
0x2a: {  	p0 =	seq.s32 s5, $0x0;
	s5 =	sld [smem:$0x3FAF]  }
0x2b: {  	s6 =	sld [smem:$0x3FB0]  }
0x2c: {  	s7 =	sld [smem:$0x3FB1]  }
0x2d: {  	s3 =	simm.s32 $0x108;
	s8 =	sld [smem:$0x3FB2]  }
0x2e: {  	s3 =	simm.s32 @!p0 $0x1082;
	s9 =	sld [smem:$0x3FB3]  }
0x2f: {  	lr =	sadd.s32 s0, s3;
	s0 =	sld [smem:$0x3FAA]  }
0x30: {  	s3 =	sld [smem:$0x3FAD]  }
0x31: {  	[smem:$0x3FB6] =	sst s10  }
0x32: {  	s10 =	sld [smem:$0x3FB4];
	_ =	sdelay $0x3  }
0x33: {  	p0 =	seq.s32 s10, $0x1;
	s10 =	sld [smem:$0x3FB6];
	_ =	sdelay $0x3  }
0x34: {  	[smem:$0x3FB6] =	sst s10  }
0x35: {  	s10 =	sld [smem:$0x3FB5];
	_ =	sdelay $0x3  }
0x36: {  	p1 =	seq.s32 s10, $0x1;
	s10 =	sld [smem:$0x3FB6];
	_ =	sdelay $0x3  }
0x37: {  	[smem:$0x3FB6] =	sst s10  }
0x38: {  	s10 =	sld [smem:$0x3FB7]  }
0x39: {  	_ = 	snop;
	(pc) =	sbr.ind lr, $3  }
0x3a: {  	_ = 	snop  }
0x3b: {  	_ = 	snop  }
0x3c: {  	p2 =	seq.s32 s10, $0x1;
	s10 =	sld [smem:$0x3FB6]  }
0x3d: {  	_ =	shalt  }
0x3e: {  	_ =	shalt  }
0x3f: {  	_ =	shalt  }
0x40: {  	_ =	shalt  }
0x41: {  	_ =	shalt  }
0x42: {  	_ =	shalt  }
0x43: {  	_ =	shalt  }
0x44: {  	_ =	shalt  }
0x45: {  	_ =	shalt  }
0x46: {  	_ =	shalt  }
0x47: {  	_ =	shalt  }
0x48: {  	_ =	shalt  }
0x49: {  	_ =	shalt  }
0x4a: {  	_ =	shalt  }
0x4b: {  	_ =	shalt  }
0x4c: {  	_ =	shalt  }
0x4d: {  	_ =	shalt  }
0x4e: {  	_ =	shalt  }
0x4f: {  	_ =	shalt  }
0x50: {  	_ =	shalt  }
0x51: {  	_ =	shalt  }
0x52: {  	_ =	shalt  }
0x53: {  	_ =	shalt  }
0x54: {  	_ =	shalt  }
0x55: {  	_ =	shalt  }
0x56: {  	_ =	shalt  }
0x57: {  	_ =	shalt  }
0x58: {  	_ =	shalt  }
0x59: {  	_ =	shalt  }
0x5a: {  	_ =	shalt  }
0x5b: {  	_ =	shalt  }
0x5c: {  	_ =	shalt  }
0x5d: {  	_ =	shalt  }
0x5e: {  	_ =	shalt  }
0x5f: {  	_ =	shalt  }
0x60: {  	_ =	shalt  }
0x61: {  	_ =	shalt  }
0x62: {  	_ =	shalt  }
0x63: {  	_ =	shalt  }
0x64: {  	_ =	shalt  }
0x65: {  	_ =	shalt  }
0x66: {  	_ =	shalt  }
0x67: {  	_ =	shalt  }
0x68: {  	_ =	shalt  }
0x69: {  	_ =	shalt  }
0x6a: {  	_ =	shalt  }
0x6b: {  	_ =	shalt  }
0x6c: {  	_ =	shalt  }
0x6d: {  	_ =	shalt  }
0x6e: {  	_ =	shalt  }
0x6f: {  	_ =	shalt  }
0x70: {  	_ =	shalt  }
0x71: {  	_ =	shalt  }
0x72: {  	_ =	shalt  }
0x73: {  	_ =	shalt  }
0x74: {  	_ =	shalt  }
0x75: {  	_ =	shalt  }
0x76: {  	_ =	shalt  }
0x77: {  	_ =	shalt  }
0x78: {  	_ =	shalt  }
0x79: {  	_ =	shalt  }
0x7a: {  	_ =	shalt  }
0x7b: {  	_ =	shalt  }
0x7c: {  	_ =	shalt  }
0x7d: {  	_ =	shalt  }
0x7e: {  	_ =	shalt  }
0x7f: {  	_ =	shalt  }
0x80: {  	_ =	shalt  }
0x81: {  	_ =	shalt  }
0x82: {  	_ =	shalt  }
0x83: {  	_ =	shalt  }
0x84: {  	_ =	shalt  }
0x85: {  	_ =	shalt  }
0x86: {  	_ =	shalt  }
0x87: {  	_ =	shalt  }
.Lfunc_end0:
.L_simem_size_0:
called_computation.1_lowered:
.L_overlay_start_0:
0x88: {  	s2 =	sld [smem:$0x3FD9]  }
0x89: {  	s3 =	sld [smem:$0x3FFE];
	_ =	sdelay $0x1  }
0x8a: {  	s1 =	srdreg.scid  }
0x8b: {  	s0 =	sand.u32 $0x1, s1  }
0x8c: {  	s17 =	sshll.u32 s0, $0xA;
	s2 =	sadd.s32 s3, s2  }
0x8d: {  	s2 =	sadd.s32 s2, s17  }
0x8e: {  	[smem:$0x3FC2] =	sst s2  }
0x8f: {  	_ = 	snop  }
0x90: {  	s2 =	sld [smem:$0x3FD0];
	(tm) =	ssettm $0x1  }
0x91: {  	s18 =	sld [smem:$0x3FFB];
	_ =	sdelay $0x3  }
0x92: {  	_ =	strace s18  }
0x93: {  	s3 =	sld [smem:$0x3FFC];
	_ =	sdelay $0x3  }
0x94: {  	_ =	strace s3  }
0x95: {  	s3 =	sld [smem:$0x3FFD];
	_ =	sdelay $0x3  }
0x96: {  	_ =	strace s3  }
0x97: {  	_ =	strace $0x8FFFFFFF  }
0x98: {  	s19 =	sld [smem:$0x3FDB];
	_ =	sdelay $0x1  }
0x99: {  	s4 =	simm.s32 $_scs_section_size  }
0x9a: {  	s5 =	simm.s32 $_size__tile_overlayer_lowered;
	s6 =	simm.s32 $_tile_overlayer_lowered  }
0x9b: {  	s22 =	simm.s32 $0x1BFF;
	s21 =	sshll.u32 s6, $0x1;
	s3 =	sadd.s32 s4, s19  }
0x9c: {  	s7 =	simm.s32 $0x0;
	s20 =	sshll.u32 s5, $0x1;
	s5 =	sadd.s32 s21, s3  }
0x9d: {  	[timem:s7], [sflag:s22] =	dma.local [hbm:s5], s20  }
0x9e: {  	_ =	swait.ge [sflag:s22], s20  }
0x9f: {  	s4 =	ssub.s32 $0x0, s20;
	[sflag:s22] =	ssyncset.done $0x0  }
0xa0: {  	[sflag:s22] =	ssyncadd.s32 s4;
	_ =	sdelay $0x1  }
0xa1: {  	s23 =	simm.s32 $0x1B8B  }
0xa2: {  	_ =	swait.ge [sflag:s23], $0x1  }
0xa3: {  	[sflag:s23] =	ssyncset.done $0x0  }
0xa4: {  	s25 =	simm.s32 $0x1B8E;
	s24 =	sld [smem:$0x3FFE];
	[sflag:s23] =	ssyncadd.s32 $0xFFFFFFFF  }
0xa5: {  	s26 =	simm.s32 $execute0_lowered;
	[smem:$0x3FD2] =	sst s25  }
0xa6: {  	s5 =	sshll.u32 s26, $0x1;
	_ =	strace $0x80000049;
	[dreg:$0x1] =	wrdreg $0xFFFFFFFF  }
0xa7: {  	s28 =	simm.s32 $_size_execute0_lowered;
	s3 =	sadd.s32 s3, s5;
	[dreg:$0x0] =	wrdreg $0x0  }
0xa8: {  	s5 =	sshll.u32 s28, $0x1;
	[dreg:$0x2] =	wrdreg s3  }
0xa9: {  	[dreg:$0x3] =	wrdreg s5  }
0xaa: {  	[dreg:$0x4] =	wrdreg $0xC0  }
0xab: {  	_ =	task [dreg:s7], $0x5FFFF  }
0xac: {  	[dreg:$0x1] =	wrdreg $0xFFFFFFFF  }
0xad: {  	[dreg:$0x0] =	wrdreg $0x60  }
0xae: {  	[dreg:$0x2] =	wrdreg s24  }
0xaf: {  	[dreg:$0x3] =	wrdreg s2  }
0xb0: {  	[dreg:$0x4] =	wrdreg $0xE1000  }
0xb1: {  	[dreg:$0x5] =	wrdreg $0x9  }
0xb2: {  	_ =	task.clear_ibuf [dreg:s7], $0x6FFFF;
	_ =	strace $0x90000049  }
0xb3: {  	s29 =	simm.s32 $0x9;
	_ =	strace $0x8000004B  }
0xb4: {  	_ =	swait.ge [sflag:s29], $0x1  }
0xb5: {  	[sflag:s29] =	ssyncadd.s32 $0xFFFFFFFF  }
0xb6: {  	_ =	strace $0x9000004B  }
0xb7: {  	_ =	sfence  }
0xb8: {  	s30 =	sld [smem:$0x0];
	_ =	sdelay $0x2  }
0xb9: {  	s31 =	sshll.u32 s1, $0xD;
	s1 =	sshrl.u32 s1, $0x2  }
0xba: {  	s3 =	sand.u32 $0x4000, s31;
	s1 =	sadd.s32 s1, s30  }
0xbb: {  	s0 =	sor.u32 s3, s0;
	s1 =	sshll.u32 s1, $0x11  }
0xbc: {  	s0 =	sor.u32 s1, s0  }
0xbd: {  	s0 =	sadd.s32 $0x8F2B, s0  }
0xbe: {  	[sflag:s0] =	ssyncadd.remote.s32 $0x1  }
0xbf: {  	_ =	sfence.sel $0xFFFF  }
0xc0: {  	[dreg:$0x0] =	wrdreg $0xFFFFFFFF;
	(pc) =	sbr.abs _section_cstart, $3  }
0xc1: {  	[dreg:$0x1] =	wrdreg $0xFFFFFFFF  }
0xc2: {  	_ =	task.clear_ibuf [dreg:s7], $0x2FFFF;
	_ =	strace $0x9FFFFFFF  }
0xc3: {  	(tm) =	ssettm $0x7FFFFFFF  }
tec
execute0_lowered:
.L_overlay_start_1:
0x0: {  	(tag) =	ssettag $0x1  }
0x1: {  	s4 =	rddreg [dreg:$0x0]  }
0x2: {  	s5 =	rddreg [dreg:$0x1]  }
0x3: {  	s2 =	rddreg [dreg:$0x2];
	s3 =	simm.s32 $0x0  }
0x4: {  	s10 =	simm.s32 $0xCA80;
	[smem:$0x7FF] =	sst s3  }
0x5: {  	s11 =	simm.s32 $0xCB00;
	_ =	strace $0x8000004A;
	[dreg:$0xd] =	wrdreg s10  }
0x6: {  	s12 =	simm.s32 $0xCB80;
	[dreg:$0xe] =	wrdreg s11  }
0x7: {  	s14 =	simm.s32 $0xCC00;
	[dreg:$0xf] =	wrdreg s12  }
0x8: {  	s15 =	simm.s32 $0xCC80;
	[dreg:$0x10] =	wrdreg s14  }
0x9: {  	s16 =	simm.s32 $0xCD00;
	[dreg:$0x11] =	wrdreg s15  }
0xa: {  	s17 =	simm.s32 $0xCD80;
	[dreg:$0x12] =	wrdreg s16  }
0xb: {  	s18 =	simm.s32 $0xCE00;
	[dreg:$0x13] =	wrdreg s17  }
0xc: {  	s19 =	simm.s32 $0xCE80;
	[dreg:$0x14] =	wrdreg s18  }
0xd: {  	s13 =	stileid.u32;
	[dreg:$0x15] =	wrdreg s19;
	s10 =	simm.s32 $0xD500  }
0xe: {  	s20 =	srdreg.scid;
	s11 =	simm.s32 $0xD580;
	[smem:$0x7E5] =	sst s10  }
0xf: {  	s28 =	simm.s32 $0x5000;
	s14 =	simm.s32 $0xD600;
	[smem:$0x7E6] =	sst s11  }
0x10: {  	s31 =	simm.s32 $0x6000;
	s15 =	simm.s32 $0xD680;
	[smem:$0x7E7] =	sst s14  }
0x11: {  	p0 =	por $0x0, $0x0;
	s16 =	simm.s32 $0xD700;
	[smem:$0x7E8] =	sst s15  }
0x12: {  	s30 =	simm.s32 $0x8800;
	s18 =	simm.s32 $0xD780;
	[smem:$0x7E9] =	sst s16  }
0x13: {  	s0 =	smul.u32 $0x2780, s13;
	s19 =	simm.s32 $0xD800;
	[smem:$0x7EA] =	sst s18  }
0x14: {  	s6 =	sadd.s32 $0x1200, s4;
	[smem:$0x7EB] =	sst s19;
	s10 =	simm.s32 $0xDD00  }
0x15: {  	s7 =	smul.u32 $0x320, s13;
	s11 =	simm.s32 $0xDD80;
	[smem:$0x7F5] =	sst s10  }
0x16: {  	s9 =	smul.u32 $0x32000, s13;
	s14 =	simm.s32 $0xDE80;
	[smem:$0x7F6] =	sst s11  }
0x17: {  	s1 =	sshrl.u32 s0, $0x3;
	s15 =	simm.s32 $0xDF00;
	[smem:$0x7F8] =	sst s14  }
0x18: {  	s16 =	simm.s32 $0xDF80;
	s8 =	sadd.s32 s1, s4;
	[smem:$0x7F9] =	sst s15  }
0x19: {  	s1 =	sand.u32 $0x1, s20;
	s20 =	simm.s32 $0xCF00;
	[smem:$0x7FA] =	sst s16  }
0x1a: {  	s4 =	sadd.s32 s7, s4;
	s8 =	sadd.s32 $0x6B600, s8;
	[dreg:$0x16] =	wrdreg s20  }
0x1b: {  	s23 =	smul.u32 $0x4F00, s13;
	s4 =	sadd.s32 $0x68400, s4;
	[dreg:$0x4] =	wrdreg s8  }
0x1c: {  	s21 =	sshll.u32 s1, $0x4;
	s20 =	simm.s32 $0xD880;
	[dreg:$0x5] =	wrdreg s4  }
0x1d: {  	s22 =	sor.u32 s21, s9;
	s9 =	simm.s32 $0xCA00;
	[smem:$0x7EC] =	sst s20  }
0x1e: {  	s7 =	sor.u32 s21, s23;
	s21 =	simm.s32 $0xCF80;
	[dreg:$0xc] =	wrdreg s9  }
0x1f: {  	s23 =	simm.s32 $0xD080;
	s24 =	sshrl.u32 s22, $0x3;
	[dreg:$0x17] =	wrdreg s21  }
0x20: {  	s26 =	sshrl.u32 s7, $0x3;
	s7 =	simm.s32 $0xC900;
	[dreg:$0x19] =	wrdreg s23  }
0x21: {  	s8 =	sadd.s32 $0x19000, s22;
	s22 =	simm.s32 $0xD000;
	[dreg:$0xa] =	wrdreg s7  }
0x22: {  	s29 =	simm.s32 $0x9000;
	s9 =	simm.s32 $0xD480;
	[dreg:$0x18] =	wrdreg s22  }
0x23: {  	s1 =	ssub.s32 $0x2, s1;
	s21 =	simm.s32 $0xD900;
	[smem:$0x7E4] =	sst s9  }
0x24: {  	s12 =	sshrl.u32 s1, $0x1;
	s23 =	simm.s32 $0xDA00;
	[smem:$0x7ED] =	sst s21  }
0x25: {  	s1 =	ssub.s32 s1, s12;
	s12 =	simm.s32 $0xDE00;
	[smem:$0x7EF] =	sst s23  }
0x26: {  	s17 =	sshll.u32 s13, $0x6;
	s4 =	sadd.s32 s6, s24;
	[smem:$0x7F7] =	sst s12  }
0x27: {  	s0 =	sadd.s32 s0, s2;
	s5 =	sadd.s32 s5, s26;
	[dreg:$0x6] =	wrdreg s4  }
0x28: {  	s19 =	simm.s32 $0xC800;
	s24 =	simm.s32 $0xD100;
	[dreg:$0x8] =	wrdreg s5  }
0x29: {  	s18 =	simm.s32 $0x2000;
	s26 =	simm.s32 $0xD200;
	[dreg:$0x1a] =	wrdreg s24  }
0x2a: {  	s10 =	simm.s32 $0x7000;
	s7 =	simm.s32 $0xD380;
	[dreg:$0x1c] =	wrdreg s26  }
0x2b: {  	s20 =	simm.s32 $0x3000;
	s22 =	simm.s32 $0xD980;
	[dreg:$0x1f] =	wrdreg s7  }
0x2c: {  	s8 =	sshrl.u32 s8, $0x3;
	s9 =	simm.s32 $0xDC80;
	[smem:$0x7EE] =	sst s22  }
0x2d: {  	s21 =	simm.s32 $0xE000;
	s23 =	simm.s32 $0xE080;
	[smem:$0x7F4] =	sst s9  }
0x2e: {  	s25 =	sadd.s32 s6, s8;
	s6 =	simm.s32 $0xC880;
	[smem:$0x7FB] =	sst s21  }
0x2f: {  	s8 =	simm.s32 $0xC980;
	s5 =	simm.s32 $0xD280;
	[smem:$0x7FC] =	sst s23  }
0x30: {  	s4 =	sor.u32 $0x1C02, s17;
	s24 =	simm.s32 $0xDA80;
	[dreg:$0x7] =	wrdreg s25  }
0x31: {  	s7 =	simm.s32 $0x80;
	s26 =	simm.s32 $0xDB80;
	[dreg:$0x9] =	wrdreg s6  }
0x32: {  	s17 =	simm.s32 $0x800;
	s22 =	simm.s32 $0x3800;
	[dreg:$0xb] =	wrdreg s8  }
0x33: {  	s9 =	simm.s32 $0x6800;
	s23 =	simm.s32 $0xA800;
	[dreg:$0x1d] =	wrdreg s5  }
0x34: {  	s21 =	simm.s32 $0xB000;
	s25 =	simm.s32 $0xD180;
	[smem:$0x7F0] =	sst s24  }
0x35: {  	s6 =	simm.s32 $0xD300;
	s8 =	simm.s32 $0xD400;
	[smem:$0x7F2] =	sst s26  }
0x36: {  	s5 =	sshrl.u32 s0, $0x3;
	[smem:$0x7E3] =	sst s8;
	s8 =	smax.u32 s1, $0x1  }
0x37: {  	s24 =	simm.s32 $0x4000;
	[dreg:$0x1b] =	wrdreg s25;
	p1 =	sne.s32 s8, $0x1  }
.Ltmp0:
0x38: {  	[dreg:$0x1e] =	wrdreg s6;
	s25 =	simm.s32 $0xDB00;
	(pc) =	sbr.rel @!p1 .LBB2_5-.Ltmp0, $4  }
0x39: {  	s26 =	simm.s32 $0x4800;
	s1 =	simm.s32 $0xDC00;
	[smem:$0x7F1] =	sst s25  }
0x3a: {  	s0 =	simm.s32 $0x9800;
	s6 =	simm.s32 $0x2;
	[smem:$0x7F3] =	sst s1  }
0x3b: {  	s1 =	simm.s32 $0x5800;
	s25 =	simm.s32 $0x4;
	s11 =	sadd.s32 $0xFFFFFFFF, s8  }
0x3c: {  	s8 =	simm.s32 $0x1;
	[smem:$0x7FD] =	sst s25;
	s25 =	simm.s32 $0xA000  }
0x3d: {  	s12 =	rddreg [dreg:$0x4]  }
0x3e: {  	[spmem:s5], [sflag:s4] =	dma.local [hbm:s12], $0x4F0  }
0x3f: {  	_ =	swait.ge [sflag:s6], $0x4F0  }
0x40: {  	[sflag:s6] =	ssyncset.done $0x0  }
0x41: {  	s16 =	rddreg [dreg:$0x5];
	[sflag:s6] =	ssyncadd.s32 $0xFFFFFB10  }
0x42: {  	[tilespmem:s19], [sflag:$0x2] =	stream.linear.gather [hbm4b:s16+s3], $0x1900, $0x38;
	[tilespmem:$0x10880] =	vst v63  }
0x43: {  	_ =	swait.ge [sflag:s6], $0x1900  }
0x44: {  	[sflag:s6] =	ssyncset.done $0x0  }
0x45: {  	[sflag:s6] =	ssyncadd.s32 $0xFFFFE700  }
0x46: {  	s8 =	simm.s32 $0x0;
	[bflag:$0x0] =	sbarrier.arrive $0xFFFF  }
0x47: {  	s13 =	simm.s32 $0x10;
	s14 =	simm.s32 $0x20;
	s3 =	rddreg [dreg:$0x6]  }
0x48: {  	[tilespmem:s8], [sflag:$0x2] =	stream.strided.gather [hbm4b:s3+s13], $0xC800, s14, s13, $0x38;
	[tilespmem:$0x10880] =	vst v63  }
0x49: {  	_ =	swait.ge [sflag:s6], $0xC800  }
0x4a: {  	[sflag:s6] =	ssyncset.done $0x0;
	s3 =	rddreg [dreg:$0x9]  }
0x4b: {  	s12 =	rddreg [dreg:$0xb];
	[sflag:s6] =	ssyncadd.s32 $0xFFFF3800  }
0x4c: {  	[spmem:s2] =	stream.indirect.scatter.add.f32 [tilespmem:s8], [sflag:$0x1], $0x10, s19, s7, $0xb8;
	[tilespmem:$0x10880] =	vst v63  }
0x4d: {  	s19 =	rddreg [dreg:$0xa]  }
0x4e: {  	[spmem:s2] =	stream.indirect.scatter.add.f32 [tilespmem:s17], [sflag:$0x1], $0x10, s3, s7, $0xb8;
	[tilespmem:$0x10880] =	vst v63  }
0x4f: {  	s17 =	simm.s32 $0x1000;
	s3 =	rddreg [dreg:$0xe]  }
0x50: {  	[spmem:s2] =	stream.indirect.scatter.add.f32 [tilespmem:s17], [sflag:$0x1], $0x10, s19, s7, $0xb8;
	[tilespmem:$0x10880] =	vst v63  }
0x51: {  	s15 =	simm.s32 $0x1800;
	s19 =	rddreg [dreg:$0xc]  }
0x52: {  	[spmem:s2] =	stream.indirect.scatter.add.f32 [tilespmem:s15], [sflag:$0x1], $0x10, s12, s7, $0xb8;
	[tilespmem:$0x10880] =	vst v63  }
0x53: {  	s15 =	rddreg [dreg:$0xd]  }
0x54: {  	[spmem:s2] =	stream.indirect.scatter.add.f32 [tilespmem:s18], [sflag:$0x1], $0x10, s19, s7, $0xb8;
	[tilespmem:$0x10880] =	vst v63  }
0x55: {  	s12 =	rddreg [dreg:$0x1f];
	s19 =	simm.s32 $0x2800  }
0x56: {  	[spmem:s2] =	stream.indirect.scatter.add.f32 [tilespmem:s19], [sflag:$0x1], $0x10, s15, s7, $0xb8;
	[tilespmem:$0x10880] =	vst v63  }
0x57: {  	[smem:$0x7E0] =	sst s12  }
0x58: {  	[spmem:s2] =	stream.indirect.scatter.add.f32 [tilespmem:s20], [sflag:$0x1], $0x10, s3, s7, $0xb8;
	[tilespmem:$0x10880] =	vst v63  }
0x59: {  	s15 =	rddreg [dreg:$0xf]  }
0x5a: {  	[spmem:s2] =	stream.indirect.scatter.add.f32 [tilespmem:s22], [sflag:$0x1], $0x10, s15, s7, $0xb8;
	[tilespmem:$0x10880] =	vst v63  }
0x5b: {  	s20 =	rddreg [dreg:$0x10]  }
0x5c: {  	[spmem:s2] =	stream.indirect.scatter.add.f32 [tilespmem:s24], [sflag:$0x1], $0x10, s20, s7, $0xb8;
	[tilespmem:$0x10880] =	vst v63  }
0x5d: {  	s22 =	rddreg [dreg:$0x11]  }
0x5e: {  	[spmem:s2] =	stream.indirect.scatter.add.f32 [tilespmem:s26], [sflag:$0x1], $0x10, s22, s7, $0xb8;
	[tilespmem:$0x10880] =	vst v63  }
0x5f: {  	s24 =	rddreg [dreg:$0x12]  }
0x60: {  	[spmem:s2] =	stream.indirect.scatter.add.f32 [tilespmem:s28], [sflag:$0x1], $0x10, s24, s7, $0xb8;
	[tilespmem:$0x10880] =	vst v63  }
0x61: {  	s26 =	rddreg [dreg:$0x13]  }
0x62: {  	[spmem:s2] =	stream.indirect.scatter.add.f32 [tilespmem:s1], [sflag:$0x1], $0x10, s26, s7, $0xb8;
	[tilespmem:$0x10880] =	vst v63  }
0x63: {  	s28 =	rddreg [dreg:$0x14]  }
0x64: {  	[spmem:s2] =	stream.indirect.scatter.add.f32 [tilespmem:s31], [sflag:$0x1], $0x10, s28, s7, $0xb8;
	[tilespmem:$0x10880] =	vst v63  }
0x65: {  	s1 =	rddreg [dreg:$0x15]  }
0x66: {  	[spmem:s2] =	stream.indirect.scatter.add.f32 [tilespmem:s9], [sflag:$0x1], $0x10, s1, s7, $0xb8;
	[tilespmem:$0x10880] =	vst v63  }
0x67: {  	s15 =	rddreg [dreg:$0x16]  }
0x68: {  	[spmem:s2] =	stream.indirect.scatter.add.f32 [tilespmem:s10], [sflag:$0x1], $0x10, s15, s7, $0xb8;
	[tilespmem:$0x10880] =	vst v63  }
0x69: {  	s20 =	rddreg [dreg:$0x17];
	s24 =	simm.s32 $0x7800  }
0x6a: {  	[spmem:s2] =	stream.indirect.scatter.add.f32 [tilespmem:s24], [sflag:$0x1], $0x10, s20, s7, $0xb8;
	[tilespmem:$0x10880] =	vst v63  }
0x6b: {  	s22 =	rddreg [dreg:$0x18];
	s15 =	simm.s32 $0x8000  }
0x6c: {  	[spmem:s2] =	stream.indirect.scatter.add.f32 [tilespmem:s15], [sflag:$0x1], $0x10, s22, s7, $0xb8;
	[tilespmem:$0x10880] =	vst v63  }
0x6d: {  	s26 =	rddreg [dreg:$0x19]  }
0x6e: {  	[spmem:s2] =	stream.indirect.scatter.add.f32 [tilespmem:s30], [sflag:$0x1], $0x10, s26, s7, $0xb8;
	[tilespmem:$0x10880] =	vst v63  }
0x6f: {  	s28 =	rddreg [dreg:$0x1a]  }
0x70: {  	[spmem:s2] =	stream.indirect.scatter.add.f32 [tilespmem:s29], [sflag:$0x1], $0x10, s28, s7, $0xb8;
	[tilespmem:$0x10880] =	vst v63  }
0x71: {  	s30 =	rddreg [dreg:$0x1b]  }
0x72: {  	[spmem:s2] =	stream.indirect.scatter.add.f32 [tilespmem:s0], [sflag:$0x1], $0x10, s30, s7, $0xb8;
	[tilespmem:$0x10880] =	vst v63  }
0x73: {  	s3 =	rddreg [dreg:$0x1c]  }
0x74: {  	[spmem:s2] =	stream.indirect.scatter.add.f32 [tilespmem:s25], [sflag:$0x1], $0x10, s3, s7, $0xb8;
	[tilespmem:$0x10880] =	vst v63  }
0x75: {  	s9 =	rddreg [dreg:$0x1d]  }
0x76: {  	[spmem:s2] =	stream.indirect.scatter.add.f32 [tilespmem:s23], [sflag:$0x1], $0x10, s9, s7, $0xb8;
	[tilespmem:$0x10880] =	vst v63  }
0x77: {  	s10 =	rddreg [dreg:$0x1e]  }
0x78: {  	[spmem:s2] =	stream.indirect.scatter.add.f32 [tilespmem:s21], [sflag:$0x1], $0x10, s10, s7, $0xb8;
	[tilespmem:$0x10880] =	vst v63  }
0x79: {  	s21 =	sld [smem:$0x7E0]  }
0x7a: {  	[smem:$0x7E2] =	sst s4  }
0x7b: {  	s12 =	sld [smem:$0x7E3];
	s20 =	simm.s32 $0xB800  }
0x7c: {  	[spmem:s2] =	stream.indirect.scatter.add.f32 [tilespmem:s20], [sflag:$0x1], $0x10, s21, s7, $0xb8;
	[tilespmem:$0x10880] =	vst v63  }
0x7d: {  	s16 =	simm.s32 $0x1;
	[smem:$0x7E1] =	sst s5;
	s21 =	simm.s32 $0xC000  }
0x7e: {  	[spmem:s2] =	stream.indirect.scatter.add.f32 [tilespmem:s21], [sflag:$0x1], $0x10, s12, s7, $0xb8;
	[tilespmem:$0x10880] =	vst v63  }
0x7f: {  	_ =	swait.ge [sflag:s16], $0xC800  }
0x80: {  	[sflag:s16] =	ssyncset.done $0x0  }
0x81: {  	s12 =	rddreg [dreg:$0x7];
	[sflag:s16] =	ssyncadd.s32 $0xFFFF3800  }
0x82: {  	[tilespmem:s8], [sflag:$0x2] =	stream.strided.gather [hbm4b:s12+s13], $0xC800, s14, s13, $0x38;
	[tilespmem:$0x10880] =	vst v63  }
0x83: {  	_ =	swait.ge [sflag:s6], $0xC800  }
0x84: {  	s14 =	sld [smem:$0x7E4]  }
0x85: {  	[sflag:s6] =	ssyncset.done $0x0  }
0x86: {  	s12 =	sld [smem:$0x7E5];
	[sflag:s6] =	ssyncadd.s32 $0xFFFF3800  }
0x87: {  	[spmem:s2] =	stream.indirect.scatter.add.f32 [tilespmem:s8], [sflag:$0x1], $0x10, s14, s7, $0xb8;
	[tilespmem:$0x10880] =	vst v63  }
0x88: {  	s16 =	simm.s32 $0x800;
	s14 =	sld [smem:$0x7E6]  }
0x89: {  	[spmem:s2] =	stream.indirect.scatter.add.f32 [tilespmem:s16], [sflag:$0x1], $0x10, s12, s7, $0xb8;
	[tilespmem:$0x10880] =	vst v63  }
0x8a: {  	s16 =	sld [smem:$0x7E7]  }
0x8b: {  	[spmem:s2] =	stream.indirect.scatter.add.f32 [tilespmem:s17], [sflag:$0x1], $0x10, s14, s7, $0xb8;
	[tilespmem:$0x10880] =	vst v63  }
0x8c: {  	s14 =	sld [smem:$0x7E8];
	s17 =	simm.s32 $0x1800  }
0x8d: {  	[spmem:s2] =	stream.indirect.scatter.add.f32 [tilespmem:s17], [sflag:$0x1], $0x10, s16, s7, $0xb8;
	[tilespmem:$0x10880] =	vst v63  }
0x8e: {  	s16 =	sld [smem:$0x7E9]  }
0x8f: {  	[spmem:s2] =	stream.indirect.scatter.add.f32 [tilespmem:s18], [sflag:$0x1], $0x10, s14, s7, $0xb8;
	[tilespmem:$0x10880] =	vst v63  }
0x90: {  	s17 =	sld [smem:$0x7EA]  }
0x91: {  	[spmem:s2] =	stream.indirect.scatter.add.f32 [tilespmem:s19], [sflag:$0x1], $0x10, s16, s7, $0xb8;
	[tilespmem:$0x10880] =	vst v63  }
0x92: {  	s5 =	simm.s32 $0x3000;
	s19 =	sld [smem:$0x7EB]  }
0x93: {  	[spmem:s2] =	stream.indirect.scatter.add.f32 [tilespmem:s5], [sflag:$0x1], $0x10, s17, s7, $0xb8;
	[tilespmem:$0x10880] =	vst v63  }
0x94: {  	s3 =	simm.s32 $0x3800;
	s14 =	sld [smem:$0x7EC]  }
0x95: {  	[spmem:s2] =	stream.indirect.scatter.add.f32 [tilespmem:s3], [sflag:$0x1], $0x10, s19, s7, $0xb8;
	[tilespmem:$0x10880] =	vst v63  }
0x96: {  	s26 =	simm.s32 $0x4000;
	s16 =	sld [smem:$0x7ED]  }
0x97: {  	[spmem:s2] =	stream.indirect.scatter.add.f32 [tilespmem:s26], [sflag:$0x1], $0x10, s14, s7, $0xb8;
	[tilespmem:$0x10880] =	vst v63  }
0x98: {  	s1 =	simm.s32 $0x4800;
	s17 =	sld [smem:$0x7EE]  }
0x99: {  	[spmem:s2] =	stream.indirect.scatter.add.f32 [tilespmem:s1], [sflag:$0x1], $0x10, s16, s7, $0xb8;
	[tilespmem:$0x10880] =	vst v63  }
0x9a: {  	s0 =	simm.s32 $0x5000;
	s19 =	sld [smem:$0x7EF]  }
0x9b: {  	[spmem:s2] =	stream.indirect.scatter.add.f32 [tilespmem:s0], [sflag:$0x1], $0x10, s17, s7, $0xb8;
	[tilespmem:$0x10880] =	vst v63  }
0x9c: {  	s28 =	simm.s32 $0x5800;
	s26 =	sld [smem:$0x7F0]  }
0x9d: {  	[spmem:s2] =	stream.indirect.scatter.add.f32 [tilespmem:s28], [sflag:$0x1], $0x10, s19, s7, $0xb8;
	[tilespmem:$0x10880] =	vst v63  }
0x9e: {  	s4 =	simm.s32 $0x6000;
	s28 =	sld [smem:$0x7F1]  }
0x9f: {  	[spmem:s2] =	stream.indirect.scatter.add.f32 [tilespmem:s4], [sflag:$0x1], $0x10, s26, s7, $0xb8;
	[tilespmem:$0x10880] =	vst v63  }
0xa0: {  	s29 =	simm.s32 $0x6800;
	s1 =	sld [smem:$0x7F2]  }
0xa1: {  	[spmem:s2] =	stream.indirect.scatter.add.f32 [tilespmem:s29], [sflag:$0x1], $0x10, s28, s7, $0xb8;
	[tilespmem:$0x10880] =	vst v63  }
0xa2: {  	s30 =	simm.s32 $0x7000;
	s3 =	sld [smem:$0x7F3]  }
0xa3: {  	[spmem:s2] =	stream.indirect.scatter.add.f32 [tilespmem:s30], [sflag:$0x1], $0x10, s1, s7, $0xb8;
	[tilespmem:$0x10880] =	vst v63  }
0xa4: {  	s31 =	simm.s32 $0x7800;
	s13 =	sld [smem:$0x7F4]  }
0xa5: {  	[spmem:s2] =	stream.indirect.scatter.add.f32 [tilespmem:s31], [sflag:$0x1], $0x10, s3, s7, $0xb8;
	[tilespmem:$0x10880] =	vst v63  }
0xa6: {  	s14 =	sld [smem:$0x7F5]  }
0xa7: {  	[spmem:s2] =	stream.indirect.scatter.add.f32 [tilespmem:s15], [sflag:$0x1], $0x10, s13, s7, $0xb8;
	[tilespmem:$0x10880] =	vst v63  }
0xa8: {  	s22 =	simm.s32 $0x8800;
	s16 =	sld [smem:$0x7F6]  }
0xa9: {  	[spmem:s2] =	stream.indirect.scatter.add.f32 [tilespmem:s22], [sflag:$0x1], $0x10, s14, s7, $0xb8;
	[tilespmem:$0x10880] =	vst v63  }
0xaa: {  	s10 =	simm.s32 $0x9000;
	s17 =	sld [smem:$0x7F7]  }
0xab: {  	[spmem:s2] =	stream.indirect.scatter.add.f32 [tilespmem:s10], [sflag:$0x1], $0x10, s16, s7, $0xb8;
	[tilespmem:$0x10880] =	vst v63  }
0xac: {  	s9 =	simm.s32 $0x9800;
	s19 =	sld [smem:$0x7F8]  }
0xad: {  	[spmem:s2] =	stream.indirect.scatter.add.f32 [tilespmem:s9], [sflag:$0x1], $0x10, s17, s7, $0xb8;
	[tilespmem:$0x10880] =	vst v63  }
0xae: {  	s25 =	simm.s32 $0xA000;
	s22 =	sld [smem:$0x7F9]  }
0xaf: {  	[spmem:s2] =	stream.indirect.scatter.add.f32 [tilespmem:s25], [sflag:$0x1], $0x10, s19, s7, $0xb8;
	[tilespmem:$0x10880] =	vst v63  }
0xb0: {  	s24 =	simm.s32 $0xA800;
	s26 =	sld [smem:$0x7FA]  }
0xb1: {  	[spmem:s2] =	stream.indirect.scatter.add.f32 [tilespmem:s24], [sflag:$0x1], $0x10, s22, s7, $0xb8;
	[tilespmem:$0x10880] =	vst v63  }
0xb2: {  	s23 =	simm.s32 $0xB000;
	s28 =	sld [smem:$0x7FB]  }
0xb3: {  	[spmem:s2] =	stream.indirect.scatter.add.f32 [tilespmem:s23], [sflag:$0x1], $0x10, s26, s7, $0xb8;
	[tilespmem:$0x10880] =	vst v63  }
0xb4: {  	s29 =	sld [smem:$0x7FC]  }
0xb5: {  	[spmem:s2] =	stream.indirect.scatter.add.f32 [tilespmem:s20], [sflag:$0x1], $0x10, s28, s7, $0xb8;
	[tilespmem:$0x10880] =	vst v63  }
0xb6: {  	s8 =	simm.s32 $0x1;
	s5 =	sld [smem:$0x7E1]  }
0xb7: {  	[spmem:s2] =	stream.indirect.scatter.add.f32 [tilespmem:s21], [sflag:$0x1], $0x10, s29, s7, $0xb8;
	[tilespmem:$0x10880] =	vst v63  }
0xb8: {  	s4 =	sld [smem:$0x7E2];
	_ =	swait.ge [sflag:s8], $0xC800  }
0xb9: {  	[sflag:s8] =	ssyncset.done $0x0  }
0xba: {  	[sflag:s8] =	ssyncadd.s32 $0xFFFF3800  }
0xbb: {  	p1 =	sne.s32 s11, $0x1;
	[bflag:$0x0] =	sbarrier.arrive $0xFFFF  }
.Ltmp1:
0xbc: {  	s31 =	sld [smem:$0x7FD];
	(pc) =	sbr.rel @!p1 .LBB2_6-.Ltmp1, $4  }
0xbd: {  	_ = 	snop  }
0xbe: {  	s30 =	rddreg [dreg:$0x8]  }
0xbf: {  	[hbm:s30@s31], [sflag:s4] =	dma.strided [spmem:s5@s6], $0x4F0, s8, $0x2   }
0xc0: {  	p0 =	por $0x1, $0x1;
	s12 =	sadd.s32 $0xFFFFFFFF, s11;
	_ =	swait.ge [sflag:s6], $0x4F0  }
0xc1: {  	s19 =	simm.s32 $0x2800  }
0xc2: {  	s3 =	simm.s32 $0x3800;
	s30 =	simm.s32 $0x4000;
	s29 =	simm.s32 $0x5800  }
0xc3: {  	s31 =	simm.s32 $0x6800;
	s11 =	simm.s32 $0x7000;
	s25 =	simm.s32 $0x7800  }
0xc4: {  	s23 =	simm.s32 $0x8000;
	s22 =	simm.s32 $0x8800;
	s10 =	simm.s32 $0x9000  }
0xc5: {  	s9 =	simm.s32 $0x9800;
	s26 =	simm.s32 $0xA000;
	s28 =	simm.s32 $0xA800  }
0xc6: {  	s24 =	simm.s32 $0xB000;
	s20 =	simm.s32 $0xB800;
	s21 =	simm.s32 $0xC000  }
.LBB2_3:
0xc7: {  	[sflag:s6] =	ssyncset.done $0x0  }
0xc8: {  	s13 =	rddreg [dreg:$0x4];
	[sflag:s6] =	ssyncadd.s32 $0xFFFFFB10  }
0xc9: {  	[spmem:s5], [sflag:s4] =	dma.local [hbm:s13], $0x4F0  }
0xca: {  	_ =	swait.ge [sflag:s6], $0x4F0  }
0xcb: {  	s14 =	simm.s32 $0xC800;
	[sflag:s6] =	ssyncset.done $0x0  }
0xcc: {  	s8 =	simm.s32 $0x0;
	s18 =	rddreg [dreg:$0x5];
	[sflag:s6] =	ssyncadd.s32 $0xFFFFFB10  }
0xcd: {  	[tilespmem:s14], [sflag:$0x2] =	stream.linear.gather [hbm4b:s18+s8], $0x1900, $0x38;
	[tilespmem:$0x10880] =	vst v63  }
0xce: {  	_ =	swait.ge [sflag:s6], $0x1900  }
0xcf: {  	[sflag:s6] =	ssyncset.done $0x0  }
0xd0: {  	[sflag:s6] =	ssyncadd.s32 $0xFFFFE700  }
0xd1: {  	[bflag:$0x0] =	sbarrier.arrive $0xFFFF  }
0xd2: {  	s15 =	simm.s32 $0x10;
	s17 =	simm.s32 $0x20;
	s1 =	rddreg [dreg:$0x6]  }
0xd3: {  	[tilespmem:s8], [sflag:$0x2] =	stream.strided.gather [hbm4b:s1+s15], $0xC800, s17, s15, $0x38;
	[tilespmem:$0x10880] =	vst v63  }
0xd4: {  	_ =	swait.ge [sflag:s6], $0xC800  }
0xd5: {  	[sflag:s6] =	ssyncset.done $0x0  }
0xd6: {  	s4 =	rddreg [dreg:$0x9];
	[sflag:s6] =	ssyncadd.s32 $0xFFFF3800  }
0xd7: {  	[spmem:s2] =	stream.indirect.scatter.add.f32 [tilespmem:s8], [sflag:$0x1], $0x10, s14, s7, $0xb8;
	[tilespmem:$0x10880] =	vst v63  }
0xd8: {  	s16 =	simm.s32 $0x800;
	s5 =	rddreg [dreg:$0xa]  }
0xd9: {  	[spmem:s2] =	stream.indirect.scatter.add.f32 [tilespmem:s16], [sflag:$0x1], $0x10, s4, s7, $0xb8;
	[tilespmem:$0x10880] =	vst v63  }
0xda: {  	s1 =	simm.s32 $0x1000;
	s13 =	rddreg [dreg:$0x15]  }
0xdb: {  	[spmem:s2] =	stream.indirect.scatter.add.f32 [tilespmem:s1], [sflag:$0x1], $0x10, s5, s7, $0xb8;
	[tilespmem:$0x10880] =	vst v63  }
0xdc: {  	s18 =	simm.s32 $0x1800;
	s16 =	rddreg [dreg:$0xb]  }
0xdd: {  	[spmem:s2] =	stream.indirect.scatter.add.f32 [tilespmem:s18], [sflag:$0x1], $0x10, s16, s7, $0xb8;
	[tilespmem:$0x10880] =	vst v63  }
0xde: {  	s4 =	rddreg [dreg:$0xc];
	s18 =	simm.s32 $0x2000  }
0xdf: {  	[spmem:s2] =	stream.indirect.scatter.add.f32 [tilespmem:s18], [sflag:$0x1], $0x10, s4, s7, $0xb8;
	[tilespmem:$0x10880] =	vst v63  }
0xe0: {  	s5 =	rddreg [dreg:$0xd]  }
0xe1: {  	[spmem:s2] =	stream.indirect.scatter.add.f32 [tilespmem:s19], [sflag:$0x1], $0x10, s5, s7, $0xb8;
	[tilespmem:$0x10880] =	vst v63  }
0xe2: {  	s16 =	rddreg [dreg:$0xe];
	s5 =	simm.s32 $0x3000  }
0xe3: {  	[spmem:s2] =	stream.indirect.scatter.add.f32 [tilespmem:s5], [sflag:$0x1], $0x10, s16, s7, $0xb8;
	[tilespmem:$0x10880] =	vst v63  }
0xe4: {  	s1 =	rddreg [dreg:$0xf]  }
0xe5: {  	[spmem:s2] =	stream.indirect.scatter.add.f32 [tilespmem:s3], [sflag:$0x1], $0x10, s1, s7, $0xb8;
	[tilespmem:$0x10880] =	vst v63  }
0xe6: {  	s4 =	rddreg [dreg:$0x10]  }
0xe7: {  	[spmem:s2] =	stream.indirect.scatter.add.f32 [tilespmem:s30], [sflag:$0x1], $0x10, s4, s7, $0xb8;
	[tilespmem:$0x10880] =	vst v63  }
0xe8: {  	s16 =	rddreg [dreg:$0x11];
	s1 =	simm.s32 $0x4800  }
0xe9: {  	[spmem:s2] =	stream.indirect.scatter.add.f32 [tilespmem:s1], [sflag:$0x1], $0x10, s16, s7, $0xb8;
	[tilespmem:$0x10880] =	vst v63  }
0xea: {  	s14 =	rddreg [dreg:$0x12];
	s16 =	simm.s32 $0x5000  }
0xeb: {  	[spmem:s2] =	stream.indirect.scatter.add.f32 [tilespmem:s16], [sflag:$0x1], $0x10, s14, s7, $0xb8;
	[tilespmem:$0x10880] =	vst v63  }
0xec: {  	s4 =	rddreg [dreg:$0x13]  }
0xed: {  	[spmem:s2] =	stream.indirect.scatter.add.f32 [tilespmem:s29], [sflag:$0x1], $0x10, s4, s7, $0xb8;
	[tilespmem:$0x10880] =	vst v63  }
0xee: {  	s14 =	rddreg [dreg:$0x14];
	s4 =	simm.s32 $0x6000  }
0xef: {  	[spmem:s2] =	stream.indirect.scatter.add.f32 [tilespmem:s4], [sflag:$0x1], $0x10, s14, s7, $0xb8;
	[tilespmem:$0x10880] =	vst v63  }
0xf0: {  	s14 =	rddreg [dreg:$0x16]  }
0xf1: {  	[spmem:s2] =	stream.indirect.scatter.add.f32 [tilespmem:s31], [sflag:$0x1], $0x10, s13, s7, $0xb8;
	[tilespmem:$0x10880] =	vst v63  }
0xf2: {  	s13 =	rddreg [dreg:$0x17]  }
0xf3: {  	[spmem:s2] =	stream.indirect.scatter.add.f32 [tilespmem:s11], [sflag:$0x1], $0x10, s14, s7, $0xb8;
	[tilespmem:$0x10880] =	vst v63  }
0xf4: {  	s14 =	rddreg [dreg:$0x18]  }
0xf5: {  	[spmem:s2] =	stream.indirect.scatter.add.f32 [tilespmem:s25], [sflag:$0x1], $0x10, s13, s7, $0xb8;
	[tilespmem:$0x10880] =	vst v63  }
0xf6: {  	s13 =	rddreg [dreg:$0x19]  }
0xf7: {  	[spmem:s2] =	stream.indirect.scatter.add.f32 [tilespmem:s23], [sflag:$0x1], $0x10, s14, s7, $0xb8;
	[tilespmem:$0x10880] =	vst v63  }
0xf8: {  	s14 =	rddreg [dreg:$0x1a]  }
0xf9: {  	[spmem:s2] =	stream.indirect.scatter.add.f32 [tilespmem:s22], [sflag:$0x1], $0x10, s13, s7, $0xb8;
	[tilespmem:$0x10880] =	vst v63  }
0xfa: {  	s13 =	rddreg [dreg:$0x1b]  }
0xfb: {  	[spmem:s2] =	stream.indirect.scatter.add.f32 [tilespmem:s10], [sflag:$0x1], $0x10, s14, s7, $0xb8;
	[tilespmem:$0x10880] =	vst v63  }
0xfc: {  	s14 =	rddreg [dreg:$0x1c]  }
0xfd: {  	[spmem:s2] =	stream.indirect.scatter.add.f32 [tilespmem:s9], [sflag:$0x1], $0x10, s13, s7, $0xb8;
	[tilespmem:$0x10880] =	vst v63  }
0xfe: {  	s13 =	rddreg [dreg:$0x1d]  }
0xff: {  	[spmem:s2] =	stream.indirect.scatter.add.f32 [tilespmem:s26], [sflag:$0x1], $0x10, s14, s7, $0xb8;
	[tilespmem:$0x10880] =	vst v63  }
0x100: {  	s14 =	rddreg [dreg:$0x1e]  }
0x101: {  	[spmem:s2] =	stream.indirect.scatter.add.f32 [tilespmem:s28], [sflag:$0x1], $0x10, s13, s7, $0xb8;
	[tilespmem:$0x10880] =	vst v63  }
0x102: {  	s13 =	rddreg [dreg:$0x1f]  }
0x103: {  	[spmem:s2] =	stream.indirect.scatter.add.f32 [tilespmem:s24], [sflag:$0x1], $0x10, s14, s7, $0xb8;
	[tilespmem:$0x10880] =	vst v63  }
0x104: {  	s14 =	sld [smem:$0x7E3]  }
0x105: {  	[spmem:s2] =	stream.indirect.scatter.add.f32 [tilespmem:s20], [sflag:$0x1], $0x10, s13, s7, $0xb8;
	[tilespmem:$0x10880] =	vst v63  }
0x106: {  	s0 =	simm.s32 $0x1  }
0x107: {  	[spmem:s2] =	stream.indirect.scatter.add.f32 [tilespmem:s21], [sflag:$0x1], $0x10, s14, s7, $0xb8;
	[tilespmem:$0x10880] =	vst v63  }
0x108: {  	_ =	swait.ge [sflag:s0], $0xC800  }
0x109: {  	[sflag:s0] =	ssyncset.done $0x0  }
0x10a: {  	s14 =	rddreg [dreg:$0x7];
	[sflag:s0] =	ssyncadd.s32 $0xFFFF3800  }
0x10b: {  	[tilespmem:s8], [sflag:$0x2] =	stream.strided.gather [hbm4b:s14+s15], $0xC800, s17, s15, $0x38;
	[tilespmem:$0x10880] =	vst v63  }
0x10c: {  	_ =	swait.ge [sflag:s6], $0xC800  }
0x10d: {  	s0 =	sld [smem:$0x7E4]  }
0x10e: {  	[sflag:s6] =	ssyncset.done $0x0  }
0x10f: {  	s14 =	sld [smem:$0x7E5];
	[sflag:s6] =	ssyncadd.s32 $0xFFFF3800  }
0x110: {  	[spmem:s2] =	stream.indirect.scatter.add.f32 [tilespmem:s8], [sflag:$0x1], $0x10, s0, s7, $0xb8;
	[tilespmem:$0x10880] =	vst v63  }
0x111: {  	s15 =	simm.s32 $0x800;
	s0 =	sld [smem:$0x7E6]  }
0x112: {  	[spmem:s2] =	stream.indirect.scatter.add.f32 [tilespmem:s15], [sflag:$0x1], $0x10, s14, s7, $0xb8;
	[tilespmem:$0x10880] =	vst v63  }
0x113: {  	s14 =	sld [smem:$0x7E7];
	s15 =	simm.s32 $0x1000  }
0x114: {  	[spmem:s2] =	stream.indirect.scatter.add.f32 [tilespmem:s15], [sflag:$0x1], $0x10, s0, s7, $0xb8;
	[tilespmem:$0x10880] =	vst v63  }
0x115: {  	s17 =	simm.s32 $0x1800;
	s15 =	sld [smem:$0x7E8]  }
0x116: {  	[spmem:s2] =	stream.indirect.scatter.add.f32 [tilespmem:s17], [sflag:$0x1], $0x10, s14, s7, $0xb8;
	[tilespmem:$0x10880] =	vst v63  }
0x117: {  	s17 =	sld [smem:$0x7E9]  }
0x118: {  	[spmem:s2] =	stream.indirect.scatter.add.f32 [tilespmem:s18], [sflag:$0x1], $0x10, s15, s7, $0xb8;
	[tilespmem:$0x10880] =	vst v63  }
0x119: {  	s0 =	sld [smem:$0x7EA]  }
0x11a: {  	[spmem:s2] =	stream.indirect.scatter.add.f32 [tilespmem:s19], [sflag:$0x1], $0x10, s17, s7, $0xb8;
	[tilespmem:$0x10880] =	vst v63  }
0x11b: {  	s15 =	sld [smem:$0x7EB]  }
0x11c: {  	[spmem:s2] =	stream.indirect.scatter.add.f32 [tilespmem:s5], [sflag:$0x1], $0x10, s0, s7, $0xb8;
	[tilespmem:$0x10880] =	vst v63  }
0x11d: {  	s17 =	sld [smem:$0x7EC]  }
0x11e: {  	[spmem:s2] =	stream.indirect.scatter.add.f32 [tilespmem:s3], [sflag:$0x1], $0x10, s15, s7, $0xb8;
	[tilespmem:$0x10880] =	vst v63  }
0x11f: {  	s0 =	sld [smem:$0x7ED]  }
0x120: {  	[spmem:s2] =	stream.indirect.scatter.add.f32 [tilespmem:s30], [sflag:$0x1], $0x10, s17, s7, $0xb8;
	[tilespmem:$0x10880] =	vst v63  }
0x121: {  	s15 =	sld [smem:$0x7EE]  }
0x122: {  	[spmem:s2] =	stream.indirect.scatter.add.f32 [tilespmem:s1], [sflag:$0x1], $0x10, s0, s7, $0xb8;
	[tilespmem:$0x10880] =	vst v63  }
0x123: {  	s17 =	sld [smem:$0x7EF]  }
0x124: {  	[spmem:s2] =	stream.indirect.scatter.add.f32 [tilespmem:s16], [sflag:$0x1], $0x10, s15, s7, $0xb8;
	[tilespmem:$0x10880] =	vst v63  }
0x125: {  	s0 =	sld [smem:$0x7F0]  }
0x126: {  	[spmem:s2] =	stream.indirect.scatter.add.f32 [tilespmem:s29], [sflag:$0x1], $0x10, s17, s7, $0xb8;
	[tilespmem:$0x10880] =	vst v63  }
0x127: {  	s1 =	sld [smem:$0x7F1]  }
0x128: {  	[spmem:s2] =	stream.indirect.scatter.add.f32 [tilespmem:s4], [sflag:$0x1], $0x10, s0, s7, $0xb8;
	[tilespmem:$0x10880] =	vst v63  }
0x129: {  	s15 =	sld [smem:$0x7F2]  }
0x12a: {  	[spmem:s2] =	stream.indirect.scatter.add.f32 [tilespmem:s31], [sflag:$0x1], $0x10, s1, s7, $0xb8;
	[tilespmem:$0x10880] =	vst v63  }
0x12b: {  	s16 =	sld [smem:$0x7F3]  }
0x12c: {  	[spmem:s2] =	stream.indirect.scatter.add.f32 [tilespmem:s11], [sflag:$0x1], $0x10, s15, s7, $0xb8;
	[tilespmem:$0x10880] =	vst v63  }
0x12d: {  	s17 =	sld [smem:$0x7F4]  }
0x12e: {  	[spmem:s2] =	stream.indirect.scatter.add.f32 [tilespmem:s25], [sflag:$0x1], $0x10, s16, s7, $0xb8;
	[tilespmem:$0x10880] =	vst v63  }
0x12f: {  	s0 =	sld [smem:$0x7F5]  }
0x130: {  	[spmem:s2] =	stream.indirect.scatter.add.f32 [tilespmem:s23], [sflag:$0x1], $0x10, s17, s7, $0xb8;
	[tilespmem:$0x10880] =	vst v63  }
0x131: {  	s1 =	sld [smem:$0x7F6]  }
0x132: {  	[spmem:s2] =	stream.indirect.scatter.add.f32 [tilespmem:s22], [sflag:$0x1], $0x10, s0, s7, $0xb8;
	[tilespmem:$0x10880] =	vst v63  }
0x133: {  	s15 =	sld [smem:$0x7F7]  }
0x134: {  	[spmem:s2] =	stream.indirect.scatter.add.f32 [tilespmem:s10], [sflag:$0x1], $0x10, s1, s7, $0xb8;
	[tilespmem:$0x10880] =	vst v63  }
0x135: {  	s16 =	sld [smem:$0x7F8]  }
0x136: {  	[spmem:s2] =	stream.indirect.scatter.add.f32 [tilespmem:s9], [sflag:$0x1], $0x10, s15, s7, $0xb8;
	[tilespmem:$0x10880] =	vst v63  }
0x137: {  	s17 =	sld [smem:$0x7F9]  }
0x138: {  	[spmem:s2] =	stream.indirect.scatter.add.f32 [tilespmem:s26], [sflag:$0x1], $0x10, s16, s7, $0xb8;
	[tilespmem:$0x10880] =	vst v63  }
0x139: {  	s0 =	sld [smem:$0x7FA]  }
0x13a: {  	[spmem:s2] =	stream.indirect.scatter.add.f32 [tilespmem:s28], [sflag:$0x1], $0x10, s17, s7, $0xb8;
	[tilespmem:$0x10880] =	vst v63  }
0x13b: {  	s1 =	sld [smem:$0x7FB]  }
0x13c: {  	[spmem:s2] =	stream.indirect.scatter.add.f32 [tilespmem:s24], [sflag:$0x1], $0x10, s0, s7, $0xb8;
	[tilespmem:$0x10880] =	vst v63  }
0x13d: {  	s15 =	sld [smem:$0x7FC]  }
0x13e: {  	[spmem:s2] =	stream.indirect.scatter.add.f32 [tilespmem:s20], [sflag:$0x1], $0x10, s1, s7, $0xb8;
	[tilespmem:$0x10880] =	vst v63  }
0x13f: {  	s8 =	simm.s32 $0x1;
	s5 =	sld [smem:$0x7E1]  }
0x140: {  	[spmem:s2] =	stream.indirect.scatter.add.f32 [tilespmem:s21], [sflag:$0x1], $0x10, s15, s7, $0xb8;
	[tilespmem:$0x10880] =	vst v63  }
0x141: {  	s4 =	sld [smem:$0x7E2];
	_ =	swait.ge [sflag:s8], $0xC800  }
0x142: {  	[sflag:s8] =	ssyncset.done $0x0  }
0x143: {  	[sflag:s8] =	ssyncadd.s32 $0xFFFF3800  }
0x144: {  	p1 =	sne.s32 s12, $0x1;
	[bflag:$0x0] =	sbarrier.arrive $0xFFFF  }
.Ltmp2:
0x145: {  	s17 =	sld [smem:$0x7FD];
	(pc) =	sbr.rel @p1 .LBB2_3-.Ltmp2, $4  }
0x146: {  	_ = 	snop  }
0x147: {  	s16 =	rddreg [dreg:$0x8]  }
0x148: {  	[hbm:s16@s17], [sflag:s4] =	dma.strided [spmem:s5@s6], $0x4F0, s8, $0x2   }
0x149: {  	s12 =	sadd.s32 $0xFFFFFFFF, s12;
	_ =	swait.ge [sflag:s6], $0x4F0  }
0x14a: {  	s13 =	stileid.u32;
	s20 =	simm.s32 $0x3000;
	s21 =	simm.s32 $0xB000  }
0x14b: {  	s22 =	simm.s32 $0x3800;
	s23 =	simm.s32 $0xA800;
	s24 =	simm.s32 $0x4000  }
0x14c: {  	s25 =	simm.s32 $0xA000;
	s26 =	simm.s32 $0x4800;
	s0 =	simm.s32 $0x9800  }
0x14d: {  	s28 =	simm.s32 $0x5000;
	s29 =	simm.s32 $0x9000;
	s1 =	simm.s32 $0x5800  }
0x14e: {  	s9 =	simm.s32 $0x6800;
	s10 =	simm.s32 $0x7000;
	s30 =	simm.s32 $0x8800  }
0x14f: {  	s31 =	simm.s32 $0x6000;
	s19 =	simm.s32 $0xC800;
	s3 =	simm.s32 $0x0  }
.LBB2_5:
0x150: {  	[sflag:s6] =	ssyncset.done @p0 $0x0  }
0x151: {  	s12 =	rddreg [dreg:$0x4];
	[sflag:s6] =	ssyncadd.s32 @p0 $0xFFFFFB10  }
0x152: {  	[spmem:s5], [sflag:s4] =	dma.local [hbm:s12], $0x4F0  }
0x153: {  	_ =	swait.ge [sflag:s6], $0x4F0  }
0x154: {  	[sflag:s6] =	ssyncset.done $0x0  }
0x155: {  	s17 =	rddreg [dreg:$0x5];
	[sflag:s6] =	ssyncadd.s32 $0xFFFFFB10  }
0x156: {  	[tilespmem:s19], [sflag:$0x2] =	stream.linear.gather [hbm4b:s17+s3], $0x1900, $0x38;
	[tilespmem:$0x10880] =	vst v63  }
0x157: {  	_ =	swait.ge [sflag:s6], $0x1900  }
0x158: {  	[sflag:s6] =	ssyncset.done $0x0  }
0x159: {  	[sflag:s6] =	ssyncadd.s32 $0xFFFFE700  }
0x15a: {  	s15 =	simm.s32 $0x10;
	[bflag:$0x0] =	sbarrier.arrive $0xFFFF  }
0x15b: {  	s3 =	simm.s32 $0x0;
	s17 =	simm.s32 $0x20;
	s11 =	rddreg [dreg:$0x6]  }
0x15c: {  	[tilespmem:s3], [sflag:$0x2] =	stream.strided.gather [hbm4b:s11+s15], $0xC800, s17, s15, $0x38;
	[tilespmem:$0x10880] =	vst v63  }
0x15d: {  	_ =	swait.ge [sflag:s6], $0xC800  }
0x15e: {  	[sflag:s6] =	ssyncset.done $0x0  }
0x15f: {  	s12 =	rddreg [dreg:$0x9];
	[sflag:s6] =	ssyncadd.s32 $0xFFFF3800  }
0x160: {  	[spmem:s2] =	stream.indirect.scatter.add.f32 [tilespmem:s3], [sflag:$0x1], $0x10, s19, s7, $0xb8;
	[tilespmem:$0x10880] =	vst v63  }
0x161: {  	s16 =	simm.s32 $0x800;
	s11 =	rddreg [dreg:$0xa]  }
0x162: {  	[spmem:s2] =	stream.indirect.scatter.add.f32 [tilespmem:s16], [sflag:$0x1], $0x10, s12, s7, $0xb8;
	[tilespmem:$0x10880] =	vst v63  }
0x163: {  	s19 =	rddreg [dreg:$0xc];
	s16 =	simm.s32 $0x1000  }
0x164: {  	[spmem:s2] =	stream.indirect.scatter.add.f32 [tilespmem:s16], [sflag:$0x1], $0x10, s11, s7, $0xb8;
	[tilespmem:$0x10880] =	vst v63  }
0x165: {  	s14 =	simm.s32 $0x1800;
	s12 =	rddreg [dreg:$0xb]  }
0x166: {  	[spmem:s2] =	stream.indirect.scatter.add.f32 [tilespmem:s14], [sflag:$0x1], $0x10, s12, s7, $0xb8;
	[tilespmem:$0x10880] =	vst v63  }
0x167: {  	s11 =	rddreg [dreg:$0xe]  }
0x168: {  	[spmem:s2] =	stream.indirect.scatter.add.f32 [tilespmem:s18], [sflag:$0x1], $0x10, s19, s7, $0xb8;
	[tilespmem:$0x10880] =	vst v63  }
0x169: {  	s12 =	rddreg [dreg:$0xd];
	s19 =	simm.s32 $0x2800  }
0x16a: {  	[spmem:s2] =	stream.indirect.scatter.add.f32 [tilespmem:s19], [sflag:$0x1], $0x10, s12, s7, $0xb8;
	[tilespmem:$0x10880] =	vst v63  }
0x16b: {  	s12 =	rddreg [dreg:$0xf]  }
0x16c: {  	[spmem:s2] =	stream.indirect.scatter.add.f32 [tilespmem:s20], [sflag:$0x1], $0x10, s11, s7, $0xb8;
	[tilespmem:$0x10880] =	vst v63  }
0x16d: {  	s11 =	rddreg [dreg:$0x10]  }
0x16e: {  	[spmem:s2] =	stream.indirect.scatter.add.f32 [tilespmem:s22], [sflag:$0x1], $0x10, s12, s7, $0xb8;
	[tilespmem:$0x10880] =	vst v63  }
0x16f: {  	s20 =	rddreg [dreg:$0x11]  }
0x170: {  	[spmem:s2] =	stream.indirect.scatter.add.f32 [tilespmem:s24], [sflag:$0x1], $0x10, s11, s7, $0xb8;
	[tilespmem:$0x10880] =	vst v63  }
0x171: {  	s22 =	rddreg [dreg:$0x12]  }
0x172: {  	[spmem:s2] =	stream.indirect.scatter.add.f32 [tilespmem:s26], [sflag:$0x1], $0x10, s20, s7, $0xb8;
	[tilespmem:$0x10880] =	vst v63  }
0x173: {  	s12 =	rddreg [dreg:$0x1f]  }
0x174: {  	[spmem:s2] =	stream.indirect.scatter.add.f32 [tilespmem:s28], [sflag:$0x1], $0x10, s22, s7, $0xb8;
	[tilespmem:$0x10880] =	vst v63  }
0x175: {  	s24 =	rddreg [dreg:$0x13]  }
0x176: {  	[spmem:s2] =	stream.indirect.scatter.add.f32 [tilespmem:s1], [sflag:$0x1], $0x10, s24, s7, $0xb8;
	[tilespmem:$0x10880] =	vst v63  }
0x177: {  	s26 =	rddreg [dreg:$0x14]  }
0x178: {  	[spmem:s2] =	stream.indirect.scatter.add.f32 [tilespmem:s31], [sflag:$0x1], $0x10, s26, s7, $0xb8;
	[tilespmem:$0x10880] =	vst v63  }
0x179: {  	s28 =	rddreg [dreg:$0x15]  }
0x17a: {  	[spmem:s2] =	stream.indirect.scatter.add.f32 [tilespmem:s9], [sflag:$0x1], $0x10, s28, s7, $0xb8;
	[tilespmem:$0x10880] =	vst v63  }
0x17b: {  	s1 =	rddreg [dreg:$0x16]  }
0x17c: {  	[spmem:s2] =	stream.indirect.scatter.add.f32 [tilespmem:s10], [sflag:$0x1], $0x10, s1, s7, $0xb8;
	[tilespmem:$0x10880] =	vst v63  }
0x17d: {  	s20 =	rddreg [dreg:$0x17];
	s24 =	simm.s32 $0x7800  }
0x17e: {  	[spmem:s2] =	stream.indirect.scatter.add.f32 [tilespmem:s24], [sflag:$0x1], $0x10, s20, s7, $0xb8;
	[tilespmem:$0x10880] =	vst v63  }
0x17f: {  	s22 =	rddreg [dreg:$0x18];
	s9 =	simm.s32 $0x8000  }
0x180: {  	[spmem:s2] =	stream.indirect.scatter.add.f32 [tilespmem:s9], [sflag:$0x1], $0x10, s22, s7, $0xb8;
	[tilespmem:$0x10880] =	vst v63  }
0x181: {  	s26 =	rddreg [dreg:$0x19]  }
0x182: {  	[spmem:s2] =	stream.indirect.scatter.add.f32 [tilespmem:s30], [sflag:$0x1], $0x10, s26, s7, $0xb8;
	[tilespmem:$0x10880] =	vst v63  }
0x183: {  	s28 =	rddreg [dreg:$0x1a]  }
0x184: {  	[spmem:s2] =	stream.indirect.scatter.add.f32 [tilespmem:s29], [sflag:$0x1], $0x10, s28, s7, $0xb8;
	[tilespmem:$0x10880] =	vst v63  }
0x185: {  	s30 =	rddreg [dreg:$0x1b]  }
0x186: {  	[spmem:s2] =	stream.indirect.scatter.add.f32 [tilespmem:s0], [sflag:$0x1], $0x10, s30, s7, $0xb8;
	[tilespmem:$0x10880] =	vst v63  }
0x187: {  	s31 =	rddreg [dreg:$0x1c]  }
0x188: {  	[spmem:s2] =	stream.indirect.scatter.add.f32 [tilespmem:s25], [sflag:$0x1], $0x10, s31, s7, $0xb8;
	[tilespmem:$0x10880] =	vst v63  }
0x189: {  	s1 =	rddreg [dreg:$0x1d]  }
0x18a: {  	[spmem:s2] =	stream.indirect.scatter.add.f32 [tilespmem:s23], [sflag:$0x1], $0x10, s1, s7, $0xb8;
	[tilespmem:$0x10880] =	vst v63  }
0x18b: {  	s10 =	rddreg [dreg:$0x1e]  }
0x18c: {  	[spmem:s2] =	stream.indirect.scatter.add.f32 [tilespmem:s21], [sflag:$0x1], $0x10, s10, s7, $0xb8;
	[tilespmem:$0x10880] =	vst v63  }
0x18d: {  	s11 =	sld [smem:$0x7E3];
	s20 =	simm.s32 $0xB800  }
0x18e: {  	[spmem:s2] =	stream.indirect.scatter.add.f32 [tilespmem:s20], [sflag:$0x1], $0x10, s12, s7, $0xb8;
	[tilespmem:$0x10880] =	vst v63  }
0x18f: {  	s21 =	simm.s32 $0xC000  }
0x190: {  	[spmem:s2] =	stream.indirect.scatter.add.f32 [tilespmem:s21], [sflag:$0x1], $0x10, s11, s7, $0xb8;
	[tilespmem:$0x10880] =	vst v63  }
0x191: {  	_ =	swait.ge [sflag:s8], $0xC800  }
0x192: {  	[sflag:s8] =	ssyncset.done $0x0  }
0x193: {  	s12 =	rddreg [dreg:$0x7];
	[sflag:s8] =	ssyncadd.s32 $0xFFFF3800  }
0x194: {  	[tilespmem:s3], [sflag:$0x2] =	stream.strided.gather [hbm4b:s12+s15], $0xC800, s17, s15, $0x38;
	[tilespmem:$0x10880] =	vst v63  }
0x195: {  	_ =	swait.ge [sflag:s6], $0xC800  }
0x196: {  	s17 =	sld [smem:$0x7E4]  }
0x197: {  	[sflag:s6] =	ssyncset.done $0x0  }
0x198: {  	s12 =	sld [smem:$0x7E5];
	[sflag:s6] =	ssyncadd.s32 $0xFFFF3800  }
0x199: {  	[spmem:s2] =	stream.indirect.scatter.add.f32 [tilespmem:s3], [sflag:$0x1], $0x10, s17, s7, $0xb8;
	[tilespmem:$0x10880] =	vst v63  }
0x19a: {  	s15 =	sld [smem:$0x7E6];
	s17 =	simm.s32 $0x800  }
0x19b: {  	[spmem:s2] =	stream.indirect.scatter.add.f32 [tilespmem:s17], [sflag:$0x1], $0x10, s12, s7, $0xb8;
	[tilespmem:$0x10880] =	vst v63  }
0x19c: {  	s12 =	sld [smem:$0x7E7]  }
0x19d: {  	[spmem:s2] =	stream.indirect.scatter.add.f32 [tilespmem:s16], [sflag:$0x1], $0x10, s15, s7, $0xb8;
	[tilespmem:$0x10880] =	vst v63  }
0x19e: {  	s14 =	simm.s32 $0x1800;
	s15 =	sld [smem:$0x7E8]  }
0x19f: {  	[spmem:s2] =	stream.indirect.scatter.add.f32 [tilespmem:s14], [sflag:$0x1], $0x10, s12, s7, $0xb8;
	[tilespmem:$0x10880] =	vst v63  }
0x1a0: {  	s16 =	sld [smem:$0x7E9]  }
0x1a1: {  	[spmem:s2] =	stream.indirect.scatter.add.f32 [tilespmem:s18], [sflag:$0x1], $0x10, s15, s7, $0xb8;
	[tilespmem:$0x10880] =	vst v63  }
0x1a2: {  	s17 =	sld [smem:$0x7EA]  }
0x1a3: {  	[spmem:s2] =	stream.indirect.scatter.add.f32 [tilespmem:s19], [sflag:$0x1], $0x10, s16, s7, $0xb8;
	[tilespmem:$0x10880] =	vst v63  }
0x1a4: {  	s22 =	simm.s32 $0x3000;
	s18 =	sld [smem:$0x7EB]  }
0x1a5: {  	[spmem:s2] =	stream.indirect.scatter.add.f32 [tilespmem:s22], [sflag:$0x1], $0x10, s17, s7, $0xb8;
	[tilespmem:$0x10880] =	vst v63  }
0x1a6: {  	s24 =	simm.s32 $0x3800;
	s19 =	sld [smem:$0x7EC]  }
0x1a7: {  	[spmem:s2] =	stream.indirect.scatter.add.f32 [tilespmem:s24], [sflag:$0x1], $0x10, s18, s7, $0xb8;
	[tilespmem:$0x10880] =	vst v63  }
0x1a8: {  	s26 =	simm.s32 $0x4000;
	s22 =	sld [smem:$0x7ED]  }
0x1a9: {  	[spmem:s2] =	stream.indirect.scatter.add.f32 [tilespmem:s26], [sflag:$0x1], $0x10, s19, s7, $0xb8;
	[tilespmem:$0x10880] =	vst v63  }
0x1aa: {  	s0 =	simm.s32 $0x4800;
	s24 =	sld [smem:$0x7EE]  }
0x1ab: {  	[spmem:s2] =	stream.indirect.scatter.add.f32 [tilespmem:s0], [sflag:$0x1], $0x10, s22, s7, $0xb8;
	[tilespmem:$0x10880] =	vst v63  }
0x1ac: {  	s30 =	simm.s32 $0x5000;
	s26 =	sld [smem:$0x7EF]  }
0x1ad: {  	[spmem:s2] =	stream.indirect.scatter.add.f32 [tilespmem:s30], [sflag:$0x1], $0x10, s24, s7, $0xb8;
	[tilespmem:$0x10880] =	vst v63  }
0x1ae: {  	s10 =	simm.s32 $0x5800;
	s30 =	sld [smem:$0x7F0]  }
0x1af: {  	[spmem:s2] =	stream.indirect.scatter.add.f32 [tilespmem:s10], [sflag:$0x1], $0x10, s26, s7, $0xb8;
	[tilespmem:$0x10880] =	vst v63  }
0x1b0: {  	s1 =	simm.s32 $0x6000;
	s0 =	sld [smem:$0x7F1]  }
0x1b1: {  	[spmem:s2] =	stream.indirect.scatter.add.f32 [tilespmem:s1], [sflag:$0x1], $0x10, s30, s7, $0xb8;
	[tilespmem:$0x10880] =	vst v63  }
0x1b2: {  	s23 =	simm.s32 $0x6800;
	s10 =	sld [smem:$0x7F2]  }
0x1b3: {  	[spmem:s2] =	stream.indirect.scatter.add.f32 [tilespmem:s23], [sflag:$0x1], $0x10, s0, s7, $0xb8;
	[tilespmem:$0x10880] =	vst v63  }
0x1b4: {  	s25 =	simm.s32 $0x7000;
	s12 =	sld [smem:$0x7F3]  }
0x1b5: {  	[spmem:s2] =	stream.indirect.scatter.add.f32 [tilespmem:s25], [sflag:$0x1], $0x10, s10, s7, $0xb8;
	[tilespmem:$0x10880] =	vst v63  }
0x1b6: {  	s14 =	sld [smem:$0x7F4];
	s15 =	simm.s32 $0x7800  }
0x1b7: {  	[spmem:s2] =	stream.indirect.scatter.add.f32 [tilespmem:s15], [sflag:$0x1], $0x10, s12, s7, $0xb8;
	[tilespmem:$0x10880] =	vst v63  }
0x1b8: {  	s16 =	sld [smem:$0x7F5]  }
0x1b9: {  	[spmem:s2] =	stream.indirect.scatter.add.f32 [tilespmem:s9], [sflag:$0x1], $0x10, s14, s7, $0xb8;
	[tilespmem:$0x10880] =	vst v63  }
0x1ba: {  	s28 =	simm.s32 $0x8800;
	s17 =	sld [smem:$0x7F6]  }
0x1bb: {  	[spmem:s2] =	stream.indirect.scatter.add.f32 [tilespmem:s28], [sflag:$0x1], $0x10, s16, s7, $0xb8;
	[tilespmem:$0x10880] =	vst v63  }
0x1bc: {  	s31 =	simm.s32 $0x9000;
	s18 =	sld [smem:$0x7F7]  }
0x1bd: {  	[spmem:s2] =	stream.indirect.scatter.add.f32 [tilespmem:s31], [sflag:$0x1], $0x10, s17, s7, $0xb8;
	[tilespmem:$0x10880] =	vst v63  }
0x1be: {  	s29 =	simm.s32 $0x9800;
	s19 =	sld [smem:$0x7F8]  }
0x1bf: {  	[spmem:s2] =	stream.indirect.scatter.add.f32 [tilespmem:s29], [sflag:$0x1], $0x10, s18, s7, $0xb8;
	[tilespmem:$0x10880] =	vst v63  }
0x1c0: {  	s22 =	sld [smem:$0x7F9];
	s23 =	simm.s32 $0xA000  }
0x1c1: {  	[spmem:s2] =	stream.indirect.scatter.add.f32 [tilespmem:s23], [sflag:$0x1], $0x10, s19, s7, $0xb8;
	[tilespmem:$0x10880] =	vst v63  }
0x1c2: {  	s24 =	sld [smem:$0x7FA];
	s25 =	simm.s32 $0xA800  }
0x1c3: {  	[spmem:s2] =	stream.indirect.scatter.add.f32 [tilespmem:s25], [sflag:$0x1], $0x10, s22, s7, $0xb8;
	[tilespmem:$0x10880] =	vst v63  }
0x1c4: {  	s26 =	sld [smem:$0x7FB];
	s28 =	simm.s32 $0xB000  }
0x1c5: {  	[spmem:s2] =	stream.indirect.scatter.add.f32 [tilespmem:s28], [sflag:$0x1], $0x10, s24, s7, $0xb8;
	[tilespmem:$0x10880] =	vst v63  }
0x1c6: {  	s29 =	sld [smem:$0x7FC]  }
0x1c7: {  	[spmem:s2] =	stream.indirect.scatter.add.f32 [tilespmem:s20], [sflag:$0x1], $0x10, s26, s7, $0xb8;
	[tilespmem:$0x10880] =	vst v63  }
0x1c8: {  	_ = 	snop  }
0x1c9: {  	[spmem:s2] =	stream.indirect.scatter.add.f32 [tilespmem:s21], [sflag:$0x1], $0x10, s29, s7, $0xb8;
	[tilespmem:$0x10880] =	vst v63  }
0x1ca: {  	_ =	swait.ge [sflag:s8], $0xC800  }
0x1cb: {  	[sflag:s8] =	ssyncset.done $0x0  }
0x1cc: {  	[sflag:s8] =	ssyncadd.s32 $0xFFFF3800  }
0x1cd: {  	[bflag:$0x0] =	sbarrier.arrive $0xFFFF  }
0x1ce: {  	s31 =	sld [smem:$0x7FD];
	_ =	sdelay $0x1  }
0x1cf: {  	s30 =	rddreg [dreg:$0x8]  }
0x1d0: {  	[hbm:s30@s31], [sflag:s4] =	dma.strided [spmem:s5@s6], $0x4F0, s8, $0x2   }
0x1d1: {  	_ =	swait.ge [sflag:s6], $0x4F0  }
0x1d2: {  	[sflag:s6] =	ssyncset.done $0x0  }
0x1d3: {  	[sflag:s6] =	ssyncadd.s32 $0xFFFFFB10  }
0x1d4: {  	_ =	sfence.sel $0x180000  }
0x1d5: {  	[bflag:$0x0] =	sbarrier.arrive $0xFFFF  }
0x1d6: {  	_ =	strace $0x9000004A  }
0x1d7: {  	[bflag:$0x2] =	sbarrier.arrive $0xFFFF  }
0x1d8: {  	p0 =	sne.s32 s13, $0x0;
	s0 =	rddreg [dreg:$0x3]  }
0x1d9: {  	s0 =	sadd.s32 @!p0 $0x100000, s0  }
0x1da: {  	[sflag:s0] =	ssyncadd.tile.s32 @!p0 $0x1;
	_ =	shalt  }
.LBB2_6:
0x1db: {  	s13 =	stileid.u32  }
0x1dc: {  	s20 =	simm.s32 $0x3000;
	s21 =	simm.s32 $0xB000;
	s22 =	simm.s32 $0x3800  }
.Ltmp3:
0x1dd: {  	s23 =	simm.s32 $0xA800;
	s24 =	simm.s32 $0x4000;
	(pc) =	sbr.rel .LBB2_5-.Ltmp3, $4  }
0x1de: {  	s25 =	simm.s32 $0xA000;
	s26 =	simm.s32 $0x4800;
	s0 =	simm.s32 $0x9800  }
0x1df: {  	s28 =	simm.s32 $0x5000;
	s29 =	simm.s32 $0x9000;
	s1 =	simm.s32 $0x5800  }
0x1e0: {  	s9 =	simm.s32 $0x6800;
	s10 =	simm.s32 $0x7000;
	s30 =	simm.s32 $0x8800  }
0x1e1: {  	s31 =	simm.s32 $0x6000;
	s19 =	simm.s32 $0xC800;
	s3 =	simm.s32 $0x0  }
.Lfunc_end2:
_tile_overlayer_lowered:
.L_overlay_start_2:
0x1e2: {  	(tag) =	ssettag $0x2  }
0x1e3: {  	s0 =	rddreg [dreg:$0x0];
	s2 =	stileid.u32  }
0x1e4: {  	s1 =	rddreg [dreg:$0x1];
	p0 =	sne.s32 s2, $0x0  }
0x1e5: {  	s3 =	rddreg [dreg:$0x2];
	[bflag:$0x3] =	sbarrier.arrive $0xFFFF;
	s2 =	simm.s32 @!p0 $0x1C02  }
0x1e6: {  	[timem:s3], [sflag:s2] =	dma.local @!p0 [hbm:s0], s1  }
0x1e7: {  	s0 =	simm.s32 @!p0 $0x2  }
0x1e8: {  	_ =	swait.ge @!p0 [sflag:s0], s1  }
0x1e9: {  	s1 =	ssub.s32 @!p0 $0x0, s1;
	[sflag:s0] =	ssyncset.done @!p0 $0x0  }
0x1ea: {  	[sflag:s0] =	ssyncadd.s32 @!p0 s1  }
0x1eb: {  	[bflag:$0x3] =	sbarrier.arrive $0xFFFF  }
0x1ec: {  	_ =	shalt  }

</sc_bundles>
